<compile_context>
chip_gen: v7x
topology: tpu7x:2x2x1
jax: 0.10.2.dev20260603
libtpu: 0.0.44.dev20260713+nightly
codegen_flags: <defaults>
</compile_context>

<pallas_src>
import functools

import jax
import jax.numpy as jnp
from jax import lax
from jax.experimental import pallas as pl
from jax.experimental.pallas import tpu as pltpu
from jax.experimental.pallas import tpu_sc as plsc

_ROWS = 8192
_COLS = 1024
_NC = 2
_NS = 16
_NW = _NC * _NS
_ROWS_W = _ROWS // _NW
_CR = 8
_NB = 4
_NCHUNKS = _ROWS_W // _CR
_LANES = 16
_GROUPS = _CR * _COLS // _LANES

_mesh = plsc.VectorSubcoreMesh(core_axis_name="c", subcore_axis_name="s")


@functools.partial(
    pl.kernel,
    out_type=jax.ShapeDtypeStruct((_ROWS, _COLS), jnp.float32),
    mesh=_mesh,
    scratch_types=[
        pltpu.VMEM((_NB, _CR, _COLS), jnp.float32),
        pltpu.VMEM((_NB, _CR, _COLS), jnp.float32),
        pltpu.VMEM((_NB, _CR, _COLS), jnp.float32),
        pltpu.SemaphoreType.DMA((_NB,)),
        pltpu.SemaphoreType.DMA((_NB,)),
    ],
)
def _sc_add(x_hbm, p_hbm, out_hbm, xbuf, pbuf, obuf, sin, sout):
    wid = lax.axis_index("c") * _NS + lax.axis_index("s")
    base = wid * _ROWS_W

    def start_in(k, b):
        off = base + k * _CR
        pltpu.async_copy(x_hbm.at[pl.ds(off, _CR)], xbuf.at[b], sin.at[b])
        pltpu.async_copy(p_hbm.at[pl.ds(off, _CR)], pbuf.at[b], sin.at[b])

    def wait_in(k, b):
        off = base + k * _CR
        pltpu.make_async_copy(x_hbm.at[pl.ds(off, _CR)], xbuf.at[b], sin.at[b]).wait()
        pltpu.make_async_copy(p_hbm.at[pl.ds(off, _CR)], pbuf.at[b], sin.at[b]).wait()

    def start_out(k, b):
        off = base + k * _CR
        pltpu.async_copy(obuf.at[b], out_hbm.at[pl.ds(off, _CR)], sout.at[b])

    def wait_out(k, b):
        off = base + k * _CR
        pltpu.make_async_copy(obuf.at[b], out_hbm.at[pl.ds(off, _CR)], sout.at[b]).wait()

    for b in range(_NB - 1):
        start_in(b, b)

    def quad_body(k4, carry):
        for b in range(_NB):
            k = _NB * k4 + b
            wait_in(k, b)

            @pl.when(k + _NB - 1 < _NCHUNKS)
            def _():
                start_in(k + _NB - 1, (b + _NB - 1) % _NB)

            @pl.when(k >= _NB)
            def _():
                wait_out(k - _NB, b)

            def add_group(i):
                r = lax.shift_right_logical(i, 6)
                c = lax.shift_left(lax.bitwise_and(i, 63), 4)
                s = pl.ds(pl.multiple_of(c, _LANES), _LANES)
                obuf[b, r, s] = xbuf[b, r, s] + pbuf[b, r, s]

            plsc.parallel_loop(0, _GROUPS, 1, unroll=8)(add_group)
            start_out(k, b)
        return carry

    lax.fori_loop(0, _NCHUNKS // _NB, quad_body, 0)
    for k in range(_NCHUNKS - _NB, _NCHUNKS):
        wait_out(k, k % _NB)


def kernel(x, pos_table):
    n = x.shape[0]
    return _sc_add(x, pos_table[:n])

# --- scband reference (transcript-rebuilt; emitter-appended) ---
"""Pipeline reference for scband-learned-positional-embedding-12249246728746 (READ-ONLY COPY).

The authoritative reference and input builder live on the scoring server;
editing this copy changes nothing except your own understanding.
"""

import jax, jax.numpy as jnp
import numpy as np

MAX_LEN = 8192
D_MODEL = 1024

def setup_inputs(seed: int = 0) -> dict:
    key = jax.random.key(seed)
    k1, k2 = jax.random.split(key)
    x = jax.random.normal(k1, (8192, D_MODEL), dtype=jnp.float32)
    # learned positional embedding table (nn.Embedding weight)
    pos_table = jax.random.normal(k2, (MAX_LEN, D_MODEL), dtype=jnp.float32) * 0.02
    return {"x": x, "pos_table": pos_table}

def reference(x, pos_table):
    # positions = torch.arange(x.size(0)); x + pos_embedding(positions)
    positions = jnp.arange(x.shape[0])
    pos_emb = jnp.take(pos_table, positions, axis=0)
    return x + pos_emb

if __name__ == "__main__":
    import jax
    _d = setup_inputs()
    print(jax.jit(kernel)(*tuple(_d.values())))

</pallas_src>

<mosaic_0001>
#map = affine_map<(d0, d1) -> (0, 0)>
module attributes {stable_mosaic.version = 14 : i64} {
  func.func @_sc_add(%arg0: i32, %arg1: i32, %arg2: memref<8192x1024xf32, #tpu.memory_space<hbm>>, %arg3: memref<8192x1024xf32, #tpu.memory_space<hbm>>, %arg4: memref<8192x1024xf32, #tpu.memory_space<hbm>>, %arg5: memref<4x8x1024xf32, #tpu.memory_space<vmem>>, %arg6: memref<4x8x1024xf32, #tpu.memory_space<vmem>>, %arg7: memref<4x8x1024xf32, #tpu.memory_space<vmem>>, %arg8: memref<4x!tpu.dma_semaphore, #tpu.memory_space<semaphore_mem>>, %arg9: memref<4x!tpu.dma_semaphore, #tpu.memory_space<semaphore_mem>>) attributes {dimension_semantics = [#tpu.dimension_semantics<core_parallel>, #tpu.dimension_semantics<subcore_parallel>], iteration_bounds = array<i64: 2, 16>, scalar_prefetch = 0 : i64, scratch_operands = 5 : i64, tpu.core_type = #tpu.core_type<sc_vector_subcore>, window_params = [{transform_indices = #map}, {transform_indices = #map}, {transform_indices = #map}]} {
    %mul3A = arith.constant 16 : i32
    %mul3A_0 = arith.muli %arg0, %mul3A : i32
    %add3A = arith.addi %mul3A_0, %arg1 : i32
    %mul3A_1 = arith.constant 256 : i32
    %mul3A_2 = arith.muli %add3A, %mul3A_1 : i32
    %add3A_3 = arith.constant 0 : i32
    %add3A_4 = arith.addi %mul3A_2, %add3A_3 : i32
    %dma_start3A = arith.constant 0 : i32
    %dma_start3A_5 = arith.constant 0 : i32
    %dma_start3A_6 = arith.constant 0 : i32
    %dma_start3A_7 = arith.constant 0 : i32
    %dma_start3A_8 = tpu.memref_slice %arg5[%dma_start3A, %dma_start3A_6, %dma_start3A_7] : memref<4x8x1024xf32, #tpu.memory_space<vmem>> -> memref<1x8x1024xf32, #tpu.memory_space<vmem>>
    %dma_start3A_9 = tpu.memref_squeeze %dma_start3A_8 : memref<1x8x1024xf32, #tpu.memory_space<vmem>> -> memref<8x1024xf32, #tpu.memory_space<vmem>>
    %dma_start3A_10 = arith.constant 0 : i32
    %dma_start3A_11 = tpu.memref_slice %arg2[%add3A_4, %dma_start3A_10] : memref<8192x1024xf32, #tpu.memory_space<hbm>> -> memref<8x1024xf32, #tpu.memory_space<hbm>>
    %dma_start3A_12 = tpu.memref_slice %arg8[%dma_start3A_5] : memref<4x!tpu.dma_semaphore, #tpu.memory_space<semaphore_mem>> -> memref<1x!tpu.dma_semaphore, #tpu.memory_space<semaphore_mem>>
    %dma_start3A_13 = tpu.memref_squeeze %dma_start3A_12 : memref<1x!tpu.dma_semaphore, #tpu.memory_space<semaphore_mem>> -> memref<!tpu.dma_semaphore, #tpu.memory_space<semaphore_mem>>
    %dma_start3A_14 = arith.constant 0 : i32
    %dma_start3A_15 = arith.constant 0 : i32
    %dma_start3A_16 = tpu.memref_slice %arg5[%dma_start3A, %dma_start3A_14, %dma_start3A_15] : memref<4x8x1024xf32, #tpu.memory_space<vmem>> -> memref<1x8x1024xf32, #tpu.memory_space<vmem>>
    %dma_start3A_17 = tpu.memref_squeeze %dma_start3A_16 : memref<1x8x1024xf32, #tpu.memory_space<vmem>> -> memref<8x1024xf32, #tpu.memory_space<vmem>>
    %dma_start3A_18 = arith.constant 0 : i32
    %dma_start3A_19 = tpu.memref_slice %arg2[%add3A_4, %dma_start3A_18] : memref<8192x1024xf32, #tpu.memory_space<hbm>> -> memref<8x1024xf32, #tpu.memory_space<hbm>>
    tpu.enqueue_dma source(%dma_start3A_19 : memref<8x1024xf32, #tpu.memory_space<hbm>>) target(%dma_start3A_17 : memref<8x1024xf32, #tpu.memory_space<vmem>>) target_semaphore(%dma_start3A_13 : memref<!tpu.dma_semaphore, #tpu.memory_space<semaphore_mem>>)
    %dma_start3A_20 = arith.constant 0 : i32
    %dma_start3A_21 = arith.constant 0 : i32
    %dma_start3A_22 = arith.constant 0 : i32
    %dma_start3A_23 = arith.constant 0 : i32
    %dma_start3A_24 = tpu.memref_slice %arg6[%dma_start3A_20, %dma_start3A_22, %dma_start3A_23] : memref<4x8x1024xf32, #tpu.memory_space<vmem>> -> memref<1x8x1024xf32, #tpu.memory_space<vmem>>
    %dma_start3A_25 = tpu.memref_squeeze %dma_start3A_24 : memref<1x8x1024xf32, #tpu.memory_space<vmem>> -> memref<8x1024xf32, #tpu.memory_space<vmem>>
    %dma_start3A_26 = arith.constant 0 : i32
    %dma_start3A_27 = tpu.memref_slice %arg3[%add3A_4, %dma_start3A_26] : memref<8192x1024xf32, #tpu.memory_space<hbm>> -> memref<8x1024xf32, #tpu.memory_space<hbm>>
    %dma_start3A_28 = tpu.memref_slice %arg8[%dma_start3A_21] : memref<4x!tpu.dma_semaphore, #tpu.memory_space<semaphore_mem>> -> memref<1x!tpu.dma_semaphore, #tpu.memory_space<semaphore_mem>>
    %dma_start3A_29 = tpu.memref_squeeze %dma_start3A_28 : memref<1x!tpu.dma_semaphore, #tpu.memory_space<semaphore_mem>> -> memref<!tpu.dma_semaphore, #tpu.memory_space<semaphore_mem>>
    %dma_start3A_30 = arith.constant 0 : i32
    %dma_start3A_31 = arith.constant 0 : i32
    %dma_start3A_32 = tpu.memref_slice %arg6[%dma_start3A_20, %dma_start3A_30, %dma_start3A_31] : memref<4x8x1024xf32, #tpu.memory_space<vmem>> -> memref<1x8x1024xf32, #tpu.memory_space<vmem>>
    %dma_start3A_33 = tpu.memref_squeeze %dma_start3A_32 : memref<1x8x1024xf32, #tpu.memory_space<vmem>> -> memref<8x1024xf32, #tpu.memory_space<vmem>>
    %dma_start3A_34 = arith.constant 0 : i32
    %dma_start3A_35 = tpu.memref_slice %arg3[%add3A_4, %dma_start3A_34] : memref<8192x1024xf32, #tpu.memory_space<hbm>> -> memref<8x1024xf32, #tpu.memory_space<hbm>>
    tpu.enqueue_dma source(%dma_start3A_35 : memref<8x1024xf32, #tpu.memory_space<hbm>>) target(%dma_start3A_33 : memref<8x1024xf32, #tpu.memory_space<vmem>>) target_semaphore(%dma_start3A_29 : memref<!tpu.dma_semaphore, #tpu.memory_space<semaphore_mem>>)
    %add3A_36 = arith.constant 8 : i32
    %add3A_37 = arith.addi %mul3A_2, %add3A_36 : i32
    %dma_start3A_38 = arith.constant 1 : i32
    %dma_start3A_39 = arith.constant 1 : i32
    %dma_start3A_40 = arith.constant 0 : i32
    %dma_start3A_41 = arith.constant 0 : i32
    %dma_start3A_42 = tpu.memref_slice %arg5[%dma_start3A_38, %dma_start3A_40, %dma_start3A_41] : memref<4x8x1024xf32, #tpu.memory_space<vmem>> -> memref<1x8x1024xf32, #tpu.memory_space<vmem>>
    %dma_start3A_43 = tpu.memref_squeeze %dma_start3A_42 : memref<1x8x1024xf32, #tpu.memory_space<vmem>> -> memref<8x1024xf32, #tpu.memory_space<vmem>>
    %dma_start3A_44 = arith.constant 0 : i32
    %dma_start3A_45 = tpu.memref_slice %arg2[%add3A_37, %dma_start3A_44] : memref<8192x1024xf32, #tpu.memory_space<hbm>> -> memref<8x1024xf32, #tpu.memory_space<hbm>>
    %dma_start3A_46 = tpu.memref_slice %arg8[%dma_start3A_39] : memref<4x!tpu.dma_semaphore, #tpu.memory_space<semaphore_mem>> -> memref<1x!tpu.dma_semaphore, #tpu.memory_space<semaphore_mem>>
    %dma_start3A_47 = tpu.memref_squeeze %dma_start3A_46 : memref<1x!tpu.dma_semaphore, #tpu.memory_space<semaphore_mem>> -> memref<!tpu.dma_semaphore, #tpu.memory_space<semaphore_mem>>
    %dma_start3A_48 = arith.constant 0 : i32
    %dma_start3A_49 = arith.constant 0 : i32
    %dma_start3A_50 = tpu.memref_slice %arg5[%dma_start3A_38, %dma_start3A_48, %dma_start3A_49] : memref<4x8x1024xf32, #tpu.memory_space<vmem>> -> memref<1x8x1024xf32, #tpu.memory_space<vmem>>
    %dma_start3A_51 = tpu.memref_squeeze %dma_start3A_50 : memref<1x8x1024xf32, #tpu.memory_space<vmem>> -> memref<8x1024xf32, #tpu.memory_space<vmem>>
    %dma_start3A_52 = arith.constant 0 : i32
    %dma_start3A_53 = tpu.memref_slice %arg2[%add3A_37, %dma_start3A_52] : memref<8192x1024xf32, #tpu.memory_space<hbm>> -> memref<8x1024xf32, #tpu.memory_space<hbm>>
    tpu.enqueue_dma source(%dma_start3A_53 : memref<8x1024xf32, #tpu.memory_space<hbm>>) target(%dma_start3A_51 : memref<8x1024xf32, #tpu.memory_space<vmem>>) target_semaphore(%dma_start3A_47 : memref<!tpu.dma_semaphore, #tpu.memory_space<semaphore_mem>>)
    %dma_start3A_54 = arith.constant 1 : i32
    %dma_start3A_55 = arith.constant 1 : i32
    %dma_start3A_56 = arith.constant 0 : i32
    %dma_start3A_57 = arith.constant 0 : i32
    %dma_start3A_58 = tpu.memref_slice %arg6[%dma_start3A_54, %dma_start3A_56, %dma_start3A_57] : memref<4x8x1024xf32, #tpu.memory_space<vmem>> -> memref<1x8x1024xf32, #tpu.memory_space<vmem>>
    %dma_start3A_59 = tpu.memref_squeeze %dma_start3A_58 : memref<1x8x1024xf32, #tpu.memory_space<vmem>> -> memref<8x1024xf32, #tpu.memory_space<vmem>>
    %dma_start3A_60 = arith.constant 0 : i32
    %dma_start3A_61 = tpu.memref_slice %arg3[%add3A_37, %dma_start3A_60] : memref<8192x1024xf32, #tpu.memory_space<hbm>> -> memref<8x1024xf32, #tpu.memory_space<hbm>>
    %dma_start3A_62 = tpu.memref_slice %arg8[%dma_start3A_55] : memref<4x!tpu.dma_semaphore, #tpu.memory_space<semaphore_mem>> -> memref<1x!tpu.dma_semaphore, #tpu.memory_space<semaphore_mem>>
    %dma_start3A_63 = tpu.memref_squeeze %dma_start3A_62 : memref<1x!tpu.dma_semaphore, #tpu.memory_space<semaphore_mem>> -> memref<!tpu.dma_semaphore, #tpu.memory_space<semaphore_mem>>
    %dma_start3A_64 = arith.constant 0 : i32
    %dma_start3A_65 = arith.constant 0 : i32
    %dma_start3A_66 = tpu.memref_slice %arg6[%dma_start3A_54, %dma_start3A_64, %dma_start3A_65] : memref<4x8x1024xf32, #tpu.memory_space<vmem>> -> memref<1x8x1024xf32, #tpu.memory_space<vmem>>
    %dma_start3A_67 = tpu.memref_squeeze %dma_start3A_66 : memref<1x8x1024xf32, #tpu.memory_space<vmem>> -> memref<8x1024xf32, #tpu.memory_space<vmem>>
    %dma_start3A_68 = arith.constant 0 : i32
    %dma_start3A_69 = tpu.memref_slice %arg3[%add3A_37, %dma_start3A_68] : memref<8192x1024xf32, #tpu.memory_space<hbm>> -> memref<8x1024xf32, #tpu.memory_space<hbm>>
    tpu.enqueue_dma source(%dma_start3A_69 : memref<8x1024xf32, #tpu.memory_space<hbm>>) target(%dma_start3A_67 : memref<8x1024xf32, #tpu.memory_space<vmem>>) target_semaphore(%dma_start3A_63 : memref<!tpu.dma_semaphore, #tpu.memory_space<semaphore_mem>>)
    %add3A_70 = arith.constant 16 : i32
    %add3A_71 = arith.addi %mul3A_2, %add3A_70 : i32
    %dma_start3A_72 = arith.constant 2 : i32
    %dma_start3A_73 = arith.constant 2 : i32
    %dma_start3A_74 = arith.constant 0 : i32
    %dma_start3A_75 = arith.constant 0 : i32
    %dma_start3A_76 = tpu.memref_slice %arg5[%dma_start3A_72, %dma_start3A_74, %dma_start3A_75] : memref<4x8x1024xf32, #tpu.memory_space<vmem>> -> memref<1x8x1024xf32, #tpu.memory_space<vmem>>
    %dma_start3A_77 = tpu.memref_squeeze %dma_start3A_76 : memref<1x8x1024xf32, #tpu.memory_space<vmem>> -> memref<8x1024xf32, #tpu.memory_space<vmem>>
    %dma_start3A_78 = arith.constant 0 : i32
    %dma_start3A_79 = tpu.memref_slice %arg2[%add3A_71, %dma_start3A_78] : memref<8192x1024xf32, #tpu.memory_space<hbm>> -> memref<8x1024xf32, #tpu.memory_space<hbm>>
    %dma_start3A_80 = tpu.memref_slice %arg8[%dma_start3A_73] : memref<4x!tpu.dma_semaphore, #tpu.memory_space<semaphore_mem>> -> memref<1x!tpu.dma_semaphore, #tpu.memory_space<semaphore_mem>>
    %dma_start3A_81 = tpu.memref_squeeze %dma_start3A_80 : memref<1x!tpu.dma_semaphore, #tpu.memory_space<semaphore_mem>> -> memref<!tpu.dma_semaphore, #tpu.memory_space<semaphore_mem>>
    %dma_start3A_82 = arith.constant 0 : i32
    %dma_start3A_83 = arith.constant 0 : i32
    %dma_start3A_84 = tpu.memref_slice %arg5[%dma_start3A_72, %dma_start3A_82, %dma_start3A_83] : memref<4x8x1024xf32, #tpu.memory_space<vmem>> -> memref<1x8x1024xf32, #tpu.memory_space<vmem>>
    %dma_start3A_85 = tpu.memref_squeeze %dma_start3A_84 : memref<1x8x1024xf32, #tpu.memory_space<vmem>> -> memref<8x1024xf32, #tpu.memory_space<vmem>>
    %dma_start3A_86 = arith.constant 0 : i32
    %dma_start3A_87 = tpu.memref_slice %arg2[%add3A_71, %dma_start3A_86] : memref<8192x1024xf32, #tpu.memory_space<hbm>> -> memref<8x1024xf32, #tpu.memory_space<hbm>>
    tpu.enqueue_dma source(%dma_start3A_87 : memref<8x1024xf32, #tpu.memory_space<hbm>>) target(%dma_start3A_85 : memref<8x1024xf32, #tpu.memory_space<vmem>>) target_semaphore(%dma_start3A_81 : memref<!tpu.dma_semaphore, #tpu.memory_space<semaphore_mem>>)
    %dma_start3A_88 = arith.constant 2 : i32
    %dma_start3A_89 = arith.constant 2 : i32
    %dma_start3A_90 = arith.constant 0 : i32
    %dma_start3A_91 = arith.constant 0 : i32
    %dma_start3A_92 = tpu.memref_slice %arg6[%dma_start3A_88, %dma_start3A_90, %dma_start3A_91] : memref<4x8x1024xf32, #tpu.memory_space<vmem>> -> memref<1x8x1024xf32, #tpu.memory_space<vmem>>
    %dma_start3A_93 = tpu.memref_squeeze %dma_start3A_92 : memref<1x8x1024xf32, #tpu.memory_space<vmem>> -> memref<8x1024xf32, #tpu.memory_space<vmem>>
    %dma_start3A_94 = arith.constant 0 : i32
    %dma_start3A_95 = tpu.memref_slice %arg3[%add3A_71, %dma_start3A_94] : memref<8192x1024xf32, #tpu.memory_space<hbm>> -> memref<8x1024xf32, #tpu.memory_space<hbm>>
    %dma_start3A_96 = tpu.memref_slice %arg8[%dma_start3A_89] : memref<4x!tpu.dma_semaphore, #tpu.memory_space<semaphore_mem>> -> memref<1x!tpu.dma_semaphore, #tpu.memory_space<semaphore_mem>>
    %dma_start3A_97 = tpu.memref_squeeze %dma_start3A_96 : memref<1x!tpu.dma_semaphore, #tpu.memory_space<semaphore_mem>> -> memref<!tpu.dma_semaphore, #tpu.memory_space<semaphore_mem>>
    %dma_start3A_98 = arith.constant 0 : i32
    %dma_start3A_99 = arith.constant 0 : i32
    %dma_start3A_100 = tpu.memref_slice %arg6[%dma_start3A_88, %dma_start3A_98, %dma_start3A_99] : memref<4x8x1024xf32, #tpu.memory_space<vmem>> -> memref<1x8x1024xf32, #tpu.memory_space<vmem>>
    %dma_start3A_101 = tpu.memref_squeeze %dma_start3A_100 : memref<1x8x1024xf32, #tpu.memory_space<vmem>> -> memref<8x1024xf32, #tpu.memory_space<vmem>>
    %dma_start3A_102 = arith.constant 0 : i32
    %dma_start3A_103 = tpu.memref_slice %arg3[%add3A_71, %dma_start3A_102] : memref<8192x1024xf32, #tpu.memory_space<hbm>> -> memref<8x1024xf32, #tpu.memory_space<hbm>>
    tpu.enqueue_dma source(%dma_start3A_103 : memref<8x1024xf32, #tpu.memory_space<hbm>>) target(%dma_start3A_101 : memref<8x1024xf32, #tpu.memory_space<vmem>>) target_semaphore(%dma_start3A_97 : memref<!tpu.dma_semaphore, #tpu.memory_space<semaphore_mem>>)
    %scan3A = arith.constant 0 : i32
    %scan3A_104 = arith.constant 0 : i32
    %scan3A_105 = arith.constant 8 : i32
    %scan3A_106 = arith.addi %scan3A_104, %scan3A_105 : i32
    %scan3A_107 = arith.constant 1 : i32
    scf.for %scan3A_180 = %scan3A_104 to %scan3A_106 step %scan3A_107  : i32 {
      %mul3A_181 = arith.constant 4 : i32
      %mul3A_182 = arith.muli %mul3A_181, %scan3A_180 : i32
      %add3A_183 = arith.constant 0 : i32
      %add3A_184 = arith.addi %mul3A_182, %add3A_183 : i32
      %mul3A_185 = arith.constant 8 : i32
      %mul3A_186 = arith.muli %add3A_184, %mul3A_185 : i32
      %add3A_187 = arith.addi %mul3A_2, %mul3A_186 : i32
      %dma_wait3A_188 = arith.constant 0 : i32
      %dma_wait3A_189 = arith.constant 0 : i32
      %dma_wait3A_190 = arith.constant 0 : i32
      %dma_wait3A_191 = arith.constant 0 : i32
      %dma_wait3A_192 = tpu.memref_slice %arg5[%dma_wait3A_188, %dma_wait3A_190, %dma_wait3A_191] : memref<4x8x1024xf32, #tpu.memory_space<vmem>> -> memref<1x8x1024xf32, #tpu.memory_space<vmem>>
      %dma_wait3A_193 = tpu.memref_squeeze %dma_wait3A_192 : memref<1x8x1024xf32, #tpu.memory_space<vmem>> -> memref<8x1024xf32, #tpu.memory_space<vmem>>
      %dma_wait3A_194 = arith.constant 0 : i32
      %dma_wait3A_195 = tpu.memref_slice %arg2[%add3A_187, %dma_wait3A_194] : memref<8192x1024xf32, #tpu.memory_space<hbm>> -> memref<8x1024xf32, #tpu.memory_space<hbm>>
      %dma_wait3A_196 = tpu.memref_slice %arg8[%dma_wait3A_189] : memref<4x!tpu.dma_semaphore, #tpu.memory_space<semaphore_mem>> -> memref<1x!tpu.dma_semaphore, #tpu.memory_space<semaphore_mem>>
      %dma_wait3A_197 = tpu.memref_squeeze %dma_wait3A_196 : memref<1x!tpu.dma_semaphore, #tpu.memory_space<semaphore_mem>> -> memref<!tpu.dma_semaphore, #tpu.memory_space<semaphore_mem>>
      %dma_wait3A_198 = arith.constant 0 : i32
      %dma_wait3A_199 = arith.constant 0 : i32
      %dma_wait3A_200 = tpu.memref_slice %arg5[%dma_wait3A_188, %dma_wait3A_198, %dma_wait3A_199] : memref<4x8x1024xf32, #tpu.memory_space<vmem>> -> memref<1x8x1024xf32, #tpu.memory_space<vmem>>
      %dma_wait3A_201 = tpu.memref_squeeze %dma_wait3A_200 : memref<1x8x1024xf32, #tpu.memory_space<vmem>> -> memref<8x1024xf32, #tpu.memory_space<vmem>>
      %dma_wait3A_202 = arith.constant 0 : i32
      %dma_wait3A_203 = tpu.memref_slice %arg2[%add3A_187, %dma_wait3A_202] : memref<8192x1024xf32, #tpu.memory_space<hbm>> -> memref<8x1024xf32, #tpu.memory_space<hbm>>
      tpu.wait_dma2 semaphore(%dma_wait3A_197 : memref<!tpu.dma_semaphore, #tpu.memory_space<semaphore_mem>>) src(%dma_wait3A_203 : memref<8x1024xf32, #tpu.memory_space<hbm>>) dst(%dma_wait3A_201 : memref<8x1024xf32, #tpu.memory_space<vmem>>)
      %dma_wait3A_204 = arith.constant 0 : i32
      %dma_wait3A_205 = arith.constant 0 : i32
      %dma_wait3A_206 = arith.constant 0 : i32
      %dma_wait3A_207 = arith.constant 0 : i32
      %dma_wait3A_208 = tpu.memref_slice %arg6[%dma_wait3A_204, %dma_wait3A_206, %dma_wait3A_207] : memref<4x8x1024xf32, #tpu.memory_space<vmem>> -> memref<1x8x1024xf32, #tpu.memory_space<vmem>>
      %dma_wait3A_209 = tpu.memref_squeeze %dma_wait3A_208 : memref<1x8x1024xf32, #tpu.memory_space<vmem>> -> memref<8x1024xf32, #tpu.memory_space<vmem>>
      %dma_wait3A_210 = arith.constant 0 : i32
      %dma_wait3A_211 = tpu.memref_slice %arg3[%add3A_187, %dma_wait3A_210] : memref<8192x1024xf32, #tpu.memory_space<hbm>> -> memref<8x1024xf32, #tpu.memory_space<hbm>>
      %dma_wait3A_212 = tpu.memref_slice %arg8[%dma_wait3A_205] : memref<4x!tpu.dma_semaphore, #tpu.memory_space<semaphore_mem>> -> memref<1x!tpu.dma_semaphore, #tpu.memory_space<semaphore_mem>>
      %dma_wait3A_213 = tpu.memref_squeeze %dma_wait3A_212 : memref<1x!tpu.dma_semaphore, #tpu.memory_space<semaphore_mem>> -> memref<!tpu.dma_semaphore, #tpu.memory_space<semaphore_mem>>
      %dma_wait3A_214 = arith.constant 0 : i32
      %dma_wait3A_215 = arith.constant 0 : i32
      %dma_wait3A_216 = tpu.memref_slice %arg6[%dma_wait3A_204, %dma_wait3A_214, %dma_wait3A_215] : memref<4x8x1024xf32, #tpu.memory_space<vmem>> -> memref<1x8x1024xf32, #tpu.memory_space<vmem>>
      %dma_wait3A_217 = tpu.memref_squeeze %dma_wait3A_216 : memref<1x8x1024xf32, #tpu.memory_space<vmem>> -> memref<8x1024xf32, #tpu.memory_space<vmem>>
      %dma_wait3A_218 = arith.constant 0 : i32
      %dma_wait3A_219 = tpu.memref_slice %arg3[%add3A_187, %dma_wait3A_218] : memref<8192x1024xf32, #tpu.memory_space<hbm>> -> memref<8x1024xf32, #tpu.memory_space<hbm>>
      tpu.wait_dma2 semaphore(%dma_wait3A_213 : memref<!tpu.dma_semaphore, #tpu.memory_space<semaphore_mem>>) src(%dma_wait3A_219 : memref<8x1024xf32, #tpu.memory_space<hbm>>) dst(%dma_wait3A_217 : memref<8x1024xf32, #tpu.memory_space<vmem>>)
      %add3A_220 = arith.constant 4 : i32
      %add3A_221 = arith.addi %add3A_184, %add3A_220 : i32
      %sub3A = arith.constant 1 : i32
      %sub3A_222 = arith.subi %add3A_221, %sub3A : i32
      %lt3A = arith.constant 32 : i32
      %lt3A_223 = arith.cmpi slt, %sub3A_222, %lt3A : i32
      %convert_element_type3A = arith.extui %lt3A_223 : i1 to i32
      %cond3A = arith.constant 0 : i32
      %cond3A_224 = arith.cmpi ne, %convert_element_type3A, %cond3A : i32
      scf.if %cond3A_224 {
        %add3A_475 = arith.constant 4 : i32
        %add3A_476 = arith.addi %add3A_184, %add3A_475 : i32
        %sub3A_477 = arith.constant 1 : i32
        %sub3A_478 = arith.subi %add3A_476, %sub3A_477 : i32
        %mul3A_479 = arith.constant 8 : i32
        %mul3A_480 = arith.muli %sub3A_478, %mul3A_479 : i32
        %add3A_481 = arith.addi %mul3A_2, %mul3A_480 : i32
        %dma_start3A_482 = arith.constant 3 : i32
        %dma_start3A_483 = arith.constant 3 : i32
        %dma_start3A_484 = arith.constant 0 : i32
        %dma_start3A_485 = arith.constant 0 : i32
        %dma_start3A_486 = tpu.memref_slice %arg5[%dma_start3A_482, %dma_start3A_484, %dma_start3A_485] : memref<4x8x1024xf32, #tpu.memory_space<vmem>> -> memref<1x8x1024xf32, #tpu.memory_space<vmem>>
        %dma_start3A_487 = tpu.memref_squeeze %dma_start3A_486 : memref<1x8x1024xf32, #tpu.memory_space<vmem>> -> memref<8x1024xf32, #tpu.memory_space<vmem>>
        %dma_start3A_488 = arith.constant 0 : i32
        %dma_start3A_489 = tpu.memref_slice %arg2[%add3A_481, %dma_start3A_488] : memref<8192x1024xf32, #tpu.memory_space<hbm>> -> memref<8x1024xf32, #tpu.memory_space<hbm>>
        %dma_start3A_490 = tpu.memref_slice %arg8[%dma_start3A_483] : memref<4x!tpu.dma_semaphore, #tpu.memory_space<semaphore_mem>> -> memref<1x!tpu.dma_semaphore, #tpu.memory_space<semaphore_mem>>
        %dma_start3A_491 = tpu.memref_squeeze %dma_start3A_490 : memref<1x!tpu.dma_semaphore, #tpu.memory_space<semaphore_mem>> -> memref<!tpu.dma_semaphore, #tpu.memory_space<semaphore_mem>>
        %dma_start3A_492 = arith.constant 0 : i32
        %dma_start3A_493 = arith.constant 0 : i32
        %dma_start3A_494 = tpu.memref_slice %arg5[%dma_start3A_482, %dma_start3A_492, %dma_start3A_493] : memref<4x8x1024xf32, #tpu.memory_space<vmem>> -> memref<1x8x1024xf32, #tpu.memory_space<vmem>>
        %dma_start3A_495 = tpu.memref_squeeze %dma_start3A_494 : memref<1x8x1024xf32, #tpu.memory_space<vmem>> -> memref<8x1024xf32, #tpu.memory_space<vmem>>
        %dma_start3A_496 = arith.constant 0 : i32
        %dma_start3A_497 = tpu.memref_slice %arg2[%add3A_481, %dma_start3A_496] : memref<8192x1024xf32, #tpu.memory_space<hbm>> -> memref<8x1024xf32, #tpu.memory_space<hbm>>
        tpu.enqueue_dma source(%dma_start3A_497 : memref<8x1024xf32, #tpu.memory_space<hbm>>) target(%dma_start3A_495 : memref<8x1024xf32, #tpu.memory_space<vmem>>) target_semaphore(%dma_start3A_491 : memref<!tpu.dma_semaphore, #tpu.memory_space<semaphore_mem>>)
        %dma_start3A_498 = arith.constant 3 : i32
        %dma_start3A_499 = arith.constant 3 : i32
        %dma_start3A_500 = arith.constant 0 : i32
        %dma_start3A_501 = arith.constant 0 : i32
        %dma_start3A_502 = tpu.memref_slice %arg6[%dma_start3A_498, %dma_start3A_500, %dma_start3A_501] : memref<4x8x1024xf32, #tpu.memory_space<vmem>> -> memref<1x8x1024xf32, #tpu.memory_space<vmem>>
        %dma_start3A_503 = tpu.memref_squeeze %dma_start3A_502 : memref<1x8x1024xf32, #tpu.memory_space<vmem>> -> memref<8x1024xf32, #tpu.memory_space<vmem>>
        %dma_start3A_504 = arith.constant 0 : i32
        %dma_start3A_505 = tpu.memref_slice %arg3[%add3A_481, %dma_start3A_504] : memref<8192x1024xf32, #tpu.memory_space<hbm>> -> memref<8x1024xf32, #tpu.memory_space<hbm>>
        %dma_start3A_506 = tpu.memref_slice %arg8[%dma_start3A_499] : memref<4x!tpu.dma_semaphore, #tpu.memory_space<semaphore_mem>> -> memref<1x!tpu.dma_semaphore, #tpu.memory_space<semaphore_mem>>
        %dma_start3A_507 = tpu.memref_squeeze %dma_start3A_506 : memref<1x!tpu.dma_semaphore, #tpu.memory_space<semaphore_mem>> -> memref<!tpu.dma_semaphore, #tpu.memory_space<semaphore_mem>>
        %dma_start3A_508 = arith.constant 0 : i32
        %dma_start3A_509 = arith.constant 0 : i32
        %dma_start3A_510 = tpu.memref_slice %arg6[%dma_start3A_498, %dma_start3A_508, %dma_start3A_509] : memref<4x8x1024xf32, #tpu.memory_space<vmem>> -> memref<1x8x1024xf32, #tpu.memory_space<vmem>>
        %dma_start3A_511 = tpu.memref_squeeze %dma_start3A_510 : memref<1x8x1024xf32, #tpu.memory_space<vmem>> -> memref<8x1024xf32, #tpu.memory_space<vmem>>
        %dma_start3A_512 = arith.constant 0 : i32
        %dma_start3A_513 = tpu.memref_slice %arg3[%add3A_481, %dma_start3A_512] : memref<8192x1024xf32, #tpu.memory_space<hbm>> -> memref<8x1024xf32, #tpu.memory_space<hbm>>
        tpu.enqueue_dma source(%dma_start3A_513 : memref<8x1024xf32, #tpu.memory_space<hbm>>) target(%dma_start3A_511 : memref<8x1024xf32, #tpu.memory_space<vmem>>) target_semaphore(%dma_start3A_507 : memref<!tpu.dma_semaphore, #tpu.memory_space<semaphore_mem>>)
      } else {
      }
      %ge3A = arith.constant 4 : i32
      %ge3A_225 = arith.cmpi sge, %add3A_184, %ge3A : i32
      %convert_element_type3A_226 = arith.extui %ge3A_225 : i1 to i32
      %cond3A_227 = arith.constant 0 : i32
      %cond3A_228 = arith.cmpi ne, %convert_element_type3A_226, %cond3A_227 : i32
      scf.if %cond3A_228 {
        %sub3A_475 = arith.constant 4 : i32
        %sub3A_476 = arith.subi %add3A_184, %sub3A_475 : i32
        %mul3A_477 = arith.constant 8 : i32
        %mul3A_478 = arith.muli %sub3A_476, %mul3A_477 : i32
        %add3A_479 = arith.addi %mul3A_2, %mul3A_478 : i32
        %dma_wait3A_480 = arith.constant 0 : i32
        %dma_wait3A_481 = arith.constant 0 : i32
        %dma_wait3A_482 = arith.constant 0 : i32
        %dma_wait3A_483 = arith.constant 0 : i32
        %dma_wait3A_484 = tpu.memref_slice %arg7[%dma_wait3A_480, %dma_wait3A_482, %dma_wait3A_483] : memref<4x8x1024xf32, #tpu.memory_space<vmem>> -> memref<1x8x1024xf32, #tpu.memory_space<vmem>>
        %dma_wait3A_485 = tpu.memref_squeeze %dma_wait3A_484 : memref<1x8x1024xf32, #tpu.memory_space<vmem>> -> memref<8x1024xf32, #tpu.memory_space<vmem>>
        %dma_wait3A_486 = arith.constant 0 : i32
        %dma_wait3A_487 = tpu.memref_slice %arg4[%add3A_479, %dma_wait3A_486] : memref<8192x1024xf32, #tpu.memory_space<hbm>> -> memref<8x1024xf32, #tpu.memory_space<hbm>>
        %dma_wait3A_488 = tpu.memref_slice %arg9[%dma_wait3A_481] : memref<4x!tpu.dma_semaphore, #tpu.memory_space<semaphore_mem>> -> memref<1x!tpu.dma_semaphore, #tpu.memory_space<semaphore_mem>>
        %dma_wait3A_489 = tpu.memref_squeeze %dma_wait3A_488 : memref<1x!tpu.dma_semaphore, #tpu.memory_space<semaphore_mem>> -> memref<!tpu.dma_semaphore, #tpu.memory_space<semaphore_mem>>
        %dma_wait3A_490 = arith.constant 0 : i32
        %dma_wait3A_491 = tpu.memref_slice %arg4[%add3A_479, %dma_wait3A_490] : memref<8192x1024xf32, #tpu.memory_space<hbm>> -> memref<8x1024xf32, #tpu.memory_space<hbm>>
        %dma_wait3A_492 = arith.constant 0 : i32
        %dma_wait3A_493 = arith.constant 0 : i32
        %dma_wait3A_494 = tpu.memref_slice %arg7[%dma_wait3A_480, %dma_wait3A_492, %dma_wait3A_493] : memref<4x8x1024xf32, #tpu.memory_space<vmem>> -> memref<1x8x1024xf32, #tpu.memory_space<vmem>>
        %dma_wait3A_495 = tpu.memref_squeeze %dma_wait3A_494 : memref<1x8x1024xf32, #tpu.memory_space<vmem>> -> memref<8x1024xf32, #tpu.memory_space<vmem>>
        tpu.wait_dma2 semaphore(%dma_wait3A_489 : memref<!tpu.dma_semaphore, #tpu.memory_space<semaphore_mem>>) src(%dma_wait3A_495 : memref<8x1024xf32, #tpu.memory_space<vmem>>) dst(%dma_wait3A_491 : memref<8x1024xf32, #tpu.memory_space<hbm>>)
      } else {
      }
      %parallel_loop3A = arith.constant 0 : i32
      %parallel_loop3A_229 = arith.constant 512 : i32
      %parallel_loop3A_230 = arith.constant 1 : i32
      scf.for %parallel_loop3A_475 = %parallel_loop3A to %parallel_loop3A_229 step %parallel_loop3A_230  : i32 {
        %parallel_loop3A_476 = arith.constant 6 : i32
        %parallel_loop3A_477 = arith.shrui %parallel_loop3A_475, %parallel_loop3A_476 : i32
        %parallel_loop3A_478 = arith.constant 63 : i32
        %parallel_loop3A_479 = arith.andi %parallel_loop3A_475, %parallel_loop3A_478 : i32
        %parallel_loop3A_480 = arith.constant 4 : i32
        %parallel_loop3A_481 = arith.shli %parallel_loop3A_479, %parallel_loop3A_480 : i32
        %parallel_loop3A_482 = tpu.assume_multiple %parallel_loop3A_481, 16 : i32
        %parallel_loop3A_483 = arith.constant 0 : i32
        %parallel_loop3A_484 = arith.index_cast %parallel_loop3A_483 : i32 to index
        %parallel_loop3A_485 = arith.index_cast %parallel_loop3A_477 : i32 to index
        %parallel_loop3A_486 = arith.index_cast %parallel_loop3A_482 : i32 to index
        %parallel_loop3A_487 = tpu.vector_load %arg5[%parallel_loop3A_484, %parallel_loop3A_485, %parallel_loop3A_486] {strides = array<i32>} : memref<4x8x1024xf32, #tpu.memory_space<vmem>>, vector<1x1x16xf32>,
        %parallel_loop3A_488 = vector.shape_cast %parallel_loop3A_487 : vector<1x1x16xf32> to vector<16xf32>
        %parallel_loop3A_489 = arith.constant 0 : i32
        %parallel_loop3A_490 = arith.index_cast %parallel_loop3A_489 : i32 to index
        %parallel_loop3A_491 = arith.index_cast %parallel_loop3A_477 : i32 to index
        %parallel_loop3A_492 = arith.index_cast %parallel_loop3A_482 : i32 to index
        %parallel_loop3A_493 = tpu.vector_load %arg6[%parallel_loop3A_490, %parallel_loop3A_491, %parallel_loop3A_492] {strides = array<i32>} : memref<4x8x1024xf32, #tpu.memory_space<vmem>>, vector<1x1x16xf32>,
        %parallel_loop3A_494 = vector.shape_cast %parallel_loop3A_493 : vector<1x1x16xf32> to vector<16xf32>
        %parallel_loop3A_495 = arith.addf %parallel_loop3A_488, %parallel_loop3A_494 : vector<16xf32>
        %parallel_loop3A_496 = arith.constant 0 : i32
        %parallel_loop3A_497 = arith.index_cast %parallel_loop3A_496 : i32 to index
        %parallel_loop3A_498 = arith.index_cast %parallel_loop3A_477 : i32 to index
        %parallel_loop3A_499 = arith.index_cast %parallel_loop3A_482 : i32 to index
        %parallel_loop3A_500 = tpu.vector_load %arg7[%parallel_loop3A_497, %parallel_loop3A_498, %parallel_loop3A_499] {strides = array<i32>} : memref<4x8x1024xf32, #tpu.memory_space<vmem>>, vector<1x1x16xf32>,
        %parallel_loop3A_501 = vector.shape_cast %parallel_loop3A_500 : vector<1x1x16xf32> to vector<16xf32>
        %parallel_loop3A_502 = vector.shape_cast %parallel_loop3A_495 : vector<16xf32> to vector<1x1x16xf32>
        tpu.vector_store %arg7[%parallel_loop3A_497, %parallel_loop3A_498, %parallel_loop3A_499], %parallel_loop3A_502 {strides = array<i32>} : memref<4x8x1024xf32, #tpu.memory_space<vmem>>, vector<1x1x16xf32>,
      } {sc.loop_unroll_factor = 8 : i64, sc.parallel_access}
      %mul3A_231 = arith.constant 8 : i32
      %mul3A_232 = arith.muli %add3A_184, %mul3A_231 : i32
      %add3A_233 = arith.addi %mul3A_2, %mul3A_232 : i32
      %dma_start3A_234 = arith.constant 0 : i32
      %dma_start3A_235 = arith.constant 0 : i32
      %dma_start3A_236 = arith.constant 0 : i32
      %dma_start3A_237 = arith.constant 0 : i32
      %dma_start3A_238 = tpu.memref_slice %arg7[%dma_start3A_234, %dma_start3A_236, %dma_start3A_237] : memref<4x8x1024xf32, #tpu.memory_space<vmem>> -> memref<1x8x1024xf32, #tpu.memory_space<vmem>>
      %dma_start3A_239 = tpu.memref_squeeze %dma_start3A_238 : memref<1x8x1024xf32, #tpu.memory_space<vmem>> -> memref<8x1024xf32, #tpu.memory_space<vmem>>
      %dma_start3A_240 = arith.constant 0 : i32
      %dma_start3A_241 = tpu.memref_slice %arg4[%add3A_233, %dma_start3A_240] : memref<8192x1024xf32, #tpu.memory_space<hbm>> -> memref<8x1024xf32, #tpu.memory_space<hbm>>
      %dma_start3A_242 = tpu.memref_slice %arg9[%dma_start3A_235] : memref<4x!tpu.dma_semaphore, #tpu.memory_space<semaphore_mem>> -> memref<1x!tpu.dma_semaphore, #tpu.memory_space<semaphore_mem>>
      %dma_start3A_243 = tpu.memref_squeeze %dma_start3A_242 : memref<1x!tpu.dma_semaphore, #tpu.memory_space<semaphore_mem>> -> memref<!tpu.dma_semaphore, #tpu.memory_space<semaphore_mem>>
      %dma_start3A_244 = arith.constant 0 : i32
      %dma_start3A_245 = tpu.memref_slice %arg4[%add3A_233, %dma_start3A_244] : memref<8192x1024xf32, #tpu.memory_space<hbm>> -> memref<8x1024xf32, #tpu.memory_space<hbm>>
      %dma_start3A_246 = arith.constant 0 : i32
      %dma_start3A_247 = arith.constant 0 : i32
      %dma_start3A_248 = tpu.memref_slice %arg7[%dma_start3A_234, %dma_start3A_246, %dma_start3A_247] : memref<4x8x1024xf32, #tpu.memory_space<vmem>> -> memref<1x8x1024xf32, #tpu.memory_space<vmem>>
      %dma_start3A_249 = tpu.memref_squeeze %dma_start3A_248 : memref<1x8x1024xf32, #tpu.memory_space<vmem>> -> memref<8x1024xf32, #tpu.memory_space<vmem>>
      tpu.enqueue_dma source(%dma_start3A_249 : memref<8x1024xf32, #tpu.memory_space<vmem>>) target(%dma_start3A_245 : memref<8x1024xf32, #tpu.memory_space<hbm>>) target_semaphore(%dma_start3A_243 : memref<!tpu.dma_semaphore, #tpu.memory_space<semaphore_mem>>)
      %mul3A_250 = arith.constant 4 : i32
      %mul3A_251 = arith.muli %mul3A_250, %scan3A_180 : i32
      %add3A_252 = arith.constant 1 : i32
      %add3A_253 = arith.addi %mul3A_251, %add3A_252 : i32
      %mul3A_254 = arith.constant 8 : i32
      %mul3A_255 = arith.muli %add3A_253, %mul3A_254 : i32
      %add3A_256 = arith.addi %mul3A_2, %mul3A_255 : i32
      %dma_wait3A_257 = arith.constant 1 : i32
      %dma_wait3A_258 = arith.constant 1 : i32
      %dma_wait3A_259 = arith.constant 0 : i32
      %dma_wait3A_260 = arith.constant 0 : i32
      %dma_wait3A_261 = tpu.memref_slice %arg5[%dma_wait3A_257, %dma_wait3A_259, %dma_wait3A_260] : memref<4x8x1024xf32, #tpu.memory_space<vmem>> -> memref<1x8x1024xf32, #tpu.memory_space<vmem>>
      %dma_wait3A_262 = tpu.memref_squeeze %dma_wait3A_261 : memref<1x8x1024xf32, #tpu.memory_space<vmem>> -> memref<8x1024xf32, #tpu.memory_space<vmem>>
      %dma_wait3A_263 = arith.constant 0 : i32
      %dma_wait3A_264 = tpu.memref_slice %arg2[%add3A_256, %dma_wait3A_263] : memref<8192x1024xf32, #tpu.memory_space<hbm>> -> memref<8x1024xf32, #tpu.memory_space<hbm>>
      %dma_wait3A_265 = tpu.memref_slice %arg8[%dma_wait3A_258] : memref<4x!tpu.dma_semaphore, #tpu.memory_space<semaphore_mem>> -> memref<1x!tpu.dma_semaphore, #tpu.memory_space<semaphore_mem>>
      %dma_wait3A_266 = tpu.memref_squeeze %dma_wait3A_265 : memref<1x!tpu.dma_semaphore, #tpu.memory_space<semaphore_mem>> -> memref<!tpu.dma_semaphore, #tpu.memory_space<semaphore_mem>>
      %dma_wait3A_267 = arith.constant 0 : i32
      %dma_wait3A_268 = arith.constant 0 : i32
      %dma_wait3A_269 = tpu.memref_slice %arg5[%dma_wait3A_257, %dma_wait3A_267, %dma_wait3A_268] : memref<4x8x1024xf32, #tpu.memory_space<vmem>> -> memref<1x8x1024xf32, #tpu.memory_space<vmem>>
      %dma_wait3A_270 = tpu.memref_squeeze %dma_wait3A_269 : memref<1x8x1024xf32, #tpu.memory_space<vmem>> -> memref<8x1024xf32, #tpu.memory_space<vmem>>
      %dma_wait3A_271 = arith.constant 0 : i32
      %dma_wait3A_272 = tpu.memref_slice %arg2[%add3A_256, %dma_wait3A_271] : memref<8192x1024xf32, #tpu.memory_space<hbm>> -> memref<8x1024xf32, #tpu.memory_space<hbm>>
      tpu.wait_dma2 semaphore(%dma_wait3A_266 : memref<!tpu.dma_semaphore, #tpu.memory_space<semaphore_mem>>) src(%dma_wait3A_272 : memref<8x1024xf32, #tpu.memory_space<hbm>>) dst(%dma_wait3A_270 : memref<8x1024xf32, #tpu.memory_space<vmem>>)
      %dma_wait3A_273 = arith.constant 1 : i32
      %dma_wait3A_274 = arith.constant 1 : i32
      %dma_wait3A_275 = arith.constant 0 : i32
      %dma_wait3A_276 = arith.constant 0 : i32
      %dma_wait3A_277 = tpu.memref_slice %arg6[%dma_wait3A_273, %dma_wait3A_275, %dma_wait3A_276] : memref<4x8x1024xf32, #tpu.memory_space<vmem>> -> memref<1x8x1024xf32, #tpu.memory_space<vmem>>
      %dma_wait3A_278 = tpu.memref_squeeze %dma_wait3A_277 : memref<1x8x1024xf32, #tpu.memory_space<vmem>> -> memref<8x1024xf32, #tpu.memory_space<vmem>>
      %dma_wait3A_279 = arith.constant 0 : i32
      %dma_wait3A_280 = tpu.memref_slice %arg3[%add3A_256, %dma_wait3A_279] : memref<8192x1024xf32, #tpu.memory_space<hbm>> -> memref<8x1024xf32, #tpu.memory_space<hbm>>
      %dma_wait3A_281 = tpu.memref_slice %arg8[%dma_wait3A_274] : memref<4x!tpu.dma_semaphore, #tpu.memory_space<semaphore_mem>> -> memref<1x!tpu.dma_semaphore, #tpu.memory_space<semaphore_mem>>
      %dma_wait3A_282 = tpu.memref_squeeze %dma_wait3A_281 : memref<1x!tpu.dma_semaphore, #tpu.memory_space<semaphore_mem>> -> memref<!tpu.dma_semaphore, #tpu.memory_space<semaphore_mem>>
      %dma_wait3A_283 = arith.constant 0 : i32
      %dma_wait3A_284 = arith.constant 0 : i32
      %dma_wait3A_285 = tpu.memref_slice %arg6[%dma_wait3A_273, %dma_wait3A_283, %dma_wait3A_284] : memref<4x8x1024xf32, #tpu.memory_space<vmem>> -> memref<1x8x1024xf32, #tpu.memory_space<vmem>>
      %dma_wait3A_286 = tpu.memref_squeeze %dma_wait3A_285 : memref<1x8x1024xf32, #tpu.memory_space<vmem>> -> memref<8x1024xf32, #tpu.memory_space<vmem>>
      %dma_wait3A_287 = arith.constant 0 : i32
      %dma_wait3A_288 = tpu.memref_slice %arg3[%add3A_256, %dma_wait3A_287] : memref<8192x1024xf32, #tpu.memory_space<hbm>> -> memref<8x1024xf32, #tpu.memory_space<hbm>>
      tpu.wait_dma2 semaphore(%dma_wait3A_282 : memref<!tpu.dma_semaphore, #tpu.memory_space<semaphore_mem>>) src(%dma_wait3A_288 : memref<8x1024xf32, #tpu.memory_space<hbm>>) dst(%dma_wait3A_286 : memref<8x1024xf32, #tpu.memory_space<vmem>>)
      %add3A_289 = arith.constant 4 : i32
      %add3A_290 = arith.addi %add3A_253, %add3A_289 : i32
      %sub3A_291 = arith.constant 1 : i32
      %sub3A_292 = arith.subi %add3A_290, %sub3A_291 : i32
      %lt3A_293 = arith.constant 32 : i32
      %lt3A_294 = arith.cmpi slt, %sub3A_292, %lt3A_293 : i32
      %convert_element_type3A_295 = arith.extui %lt3A_294 : i1 to i32
      %cond3A_296 = arith.constant 0 : i32
      %cond3A_297 = arith.cmpi ne, %convert_element_type3A_295, %cond3A_296 : i32
      scf.if %cond3A_297 {
        %add3A_475 = arith.constant 4 : i32
        %add3A_476 = arith.addi %add3A_253, %add3A_475 : i32
        %sub3A_477 = arith.constant 1 : i32
        %sub3A_478 = arith.subi %add3A_476, %sub3A_477 : i32
        %mul3A_479 = arith.constant 8 : i32
        %mul3A_480 = arith.muli %sub3A_478, %mul3A_479 : i32
        %add3A_481 = arith.addi %mul3A_2, %mul3A_480 : i32
        %dma_start3A_482 = arith.constant 0 : i32
        %dma_start3A_483 = arith.constant 0 : i32
        %dma_start3A_484 = arith.constant 0 : i32
        %dma_start3A_485 = arith.constant 0 : i32
        %dma_start3A_486 = tpu.memref_slice %arg5[%dma_start3A_482, %dma_start3A_484, %dma_start3A_485] : memref<4x8x1024xf32, #tpu.memory_space<vmem>> -> memref<1x8x1024xf32, #tpu.memory_space<vmem>>
        %dma_start3A_487 = tpu.memref_squeeze %dma_start3A_486 : memref<1x8x1024xf32, #tpu.memory_space<vmem>> -> memref<8x1024xf32, #tpu.memory_space<vmem>>
        %dma_start3A_488 = arith.constant 0 : i32
        %dma_start3A_489 = tpu.memref_slice %arg2[%add3A_481, %dma_start3A_488] : memref<8192x1024xf32, #tpu.memory_space<hbm>> -> memref<8x1024xf32, #tpu.memory_space<hbm>>
        %dma_start3A_490 = tpu.memref_slice %arg8[%dma_start3A_483] : memref<4x!tpu.dma_semaphore, #tpu.memory_space<semaphore_mem>> -> memref<1x!tpu.dma_semaphore, #tpu.memory_space<semaphore_mem>>
        %dma_start3A_491 = tpu.memref_squeeze %dma_start3A_490 : memref<1x!tpu.dma_semaphore, #tpu.memory_space<semaphore_mem>> -> memref<!tpu.dma_semaphore, #tpu.memory_space<semaphore_mem>>
        %dma_start3A_492 = arith.constant 0 : i32
        %dma_start3A_493 = arith.constant 0 : i32
        %dma_start3A_494 = tpu.memref_slice %arg5[%dma_start3A_482, %dma_start3A_492, %dma_start3A_493] : memref<4x8x1024xf32, #tpu.memory_space<vmem>> -> memref<1x8x1024xf32, #tpu.memory_space<vmem>>
        %dma_start3A_495 = tpu.memref_squeeze %dma_start3A_494 : memref<1x8x1024xf32, #tpu.memory_space<vmem>> -> memref<8x1024xf32, #tpu.memory_space<vmem>>
        %dma_start3A_496 = arith.constant 0 : i32
        %dma_start3A_497 = tpu.memref_slice %arg2[%add3A_481, %dma_start3A_496] : memref<8192x1024xf32, #tpu.memory_space<hbm>> -> memref<8x1024xf32, #tpu.memory_space<hbm>>
        tpu.enqueue_dma source(%dma_start3A_497 : memref<8x1024xf32, #tpu.memory_space<hbm>>) target(%dma_start3A_495 : memref<8x1024xf32, #tpu.memory_space<vmem>>) target_semaphore(%dma_start3A_491 : memref<!tpu.dma_semaphore, #tpu.memory_space<semaphore_mem>>)
        %dma_start3A_498 = arith.constant 0 : i32
        %dma_start3A_499 = arith.constant 0 : i32
        %dma_start3A_500 = arith.constant 0 : i32
        %dma_start3A_501 = arith.constant 0 : i32
        %dma_start3A_502 = tpu.memref_slice %arg6[%dma_start3A_498, %dma_start3A_500, %dma_start3A_501] : memref<4x8x1024xf32, #tpu.memory_space<vmem>> -> memref<1x8x1024xf32, #tpu.memory_space<vmem>>
        %dma_start3A_503 = tpu.memref_squeeze %dma_start3A_502 : memref<1x8x1024xf32, #tpu.memory_space<vmem>> -> memref<8x1024xf32, #tpu.memory_space<vmem>>
        %dma_start3A_504 = arith.constant 0 : i32
        %dma_start3A_505 = tpu.memref_slice %arg3[%add3A_481, %dma_start3A_504] : memref<8192x1024xf32, #tpu.memory_space<hbm>> -> memref<8x1024xf32, #tpu.memory_space<hbm>>
        %dma_start3A_506 = tpu.memref_slice %arg8[%dma_start3A_499] : memref<4x!tpu.dma_semaphore, #tpu.memory_space<semaphore_mem>> -> memref<1x!tpu.dma_semaphore, #tpu.memory_space<semaphore_mem>>
        %dma_start3A_507 = tpu.memref_squeeze %dma_start3A_506 : memref<1x!tpu.dma_semaphore, #tpu.memory_space<semaphore_mem>> -> memref<!tpu.dma_semaphore, #tpu.memory_space<semaphore_mem>>
        %dma_start3A_508 = arith.constant 0 : i32
        %dma_start3A_509 = arith.constant 0 : i32
        %dma_start3A_510 = tpu.memref_slice %arg6[%dma_start3A_498, %dma_start3A_508, %dma_start3A_509] : memref<4x8x1024xf32, #tpu.memory_space<vmem>> -> memref<1x8x1024xf32, #tpu.memory_space<vmem>>
        %dma_start3A_511 = tpu.memref_squeeze %dma_start3A_510 : memref<1x8x1024xf32, #tpu.memory_space<vmem>> -> memref<8x1024xf32, #tpu.memory_space<vmem>>
        %dma_start3A_512 = arith.constant 0 : i32
        %dma_start3A_513 = tpu.memref_slice %arg3[%add3A_481, %dma_start3A_512] : memref<8192x1024xf32, #tpu.memory_space<hbm>> -> memref<8x1024xf32, #tpu.memory_space<hbm>>
        tpu.enqueue_dma source(%dma_start3A_513 : memref<8x1024xf32, #tpu.memory_space<hbm>>) target(%dma_start3A_511 : memref<8x1024xf32, #tpu.memory_space<vmem>>) target_semaphore(%dma_start3A_507 : memref<!tpu.dma_semaphore, #tpu.memory_space<semaphore_mem>>)
      } else {
      }
      %ge3A_298 = arith.constant 4 : i32
      %ge3A_299 = arith.cmpi sge, %add3A_253, %ge3A_298 : i32
      %convert_element_type3A_300 = arith.extui %ge3A_299 : i1 to i32
      %cond3A_301 = arith.constant 0 : i32
      %cond3A_302 = arith.cmpi ne, %convert_element_type3A_300, %cond3A_301 : i32
      scf.if %cond3A_302 {
        %sub3A_475 = arith.constant 4 : i32
        %sub3A_476 = arith.subi %add3A_253, %sub3A_475 : i32
        %mul3A_477 = arith.constant 8 : i32
        %mul3A_478 = arith.muli %sub3A_476, %mul3A_477 : i32
        %add3A_479 = arith.addi %mul3A_2, %mul3A_478 : i32
        %dma_wait3A_480 = arith.constant 1 : i32
        %dma_wait3A_481 = arith.constant 1 : i32
        %dma_wait3A_482 = arith.constant 0 : i32
        %dma_wait3A_483 = arith.constant 0 : i32
        %dma_wait3A_484 = tpu.memref_slice %arg7[%dma_wait3A_480, %dma_wait3A_482, %dma_wait3A_483] : memref<4x8x1024xf32, #tpu.memory_space<vmem>> -> memref<1x8x1024xf32, #tpu.memory_space<vmem>>
        %dma_wait3A_485 = tpu.memref_squeeze %dma_wait3A_484 : memref<1x8x1024xf32, #tpu.memory_space<vmem>> -> memref<8x1024xf32, #tpu.memory_space<vmem>>
        %dma_wait3A_486 = arith.constant 0 : i32
        %dma_wait3A_487 = tpu.memref_slice %arg4[%add3A_479, %dma_wait3A_486] : memref<8192x1024xf32, #tpu.memory_space<hbm>> -> memref<8x1024xf32, #tpu.memory_space<hbm>>
        %dma_wait3A_488 = tpu.memref_slice %arg9[%dma_wait3A_481] : memref<4x!tpu.dma_semaphore, #tpu.memory_space<semaphore_mem>> -> memref<1x!tpu.dma_semaphore, #tpu.memory_space<semaphore_mem>>
        %dma_wait3A_489 = tpu.memref_squeeze %dma_wait3A_488 : memref<1x!tpu.dma_semaphore, #tpu.memory_space<semaphore_mem>> -> memref<!tpu.dma_semaphore, #tpu.memory_space<semaphore_mem>>
        %dma_wait3A_490 = arith.constant 0 : i32
        %dma_wait3A_491 = tpu.memref_slice %arg4[%add3A_479, %dma_wait3A_490] : memref<8192x1024xf32, #tpu.memory_space<hbm>> -> memref<8x1024xf32, #tpu.memory_space<hbm>>
        %dma_wait3A_492 = arith.constant 0 : i32
        %dma_wait3A_493 = arith.constant 0 : i32
        %dma_wait3A_494 = tpu.memref_slice %arg7[%dma_wait3A_480, %dma_wait3A_492, %dma_wait3A_493] : memref<4x8x1024xf32, #tpu.memory_space<vmem>> -> memref<1x8x1024xf32, #tpu.memory_space<vmem>>
        %dma_wait3A_495 = tpu.memref_squeeze %dma_wait3A_494 : memref<1x8x1024xf32, #tpu.memory_space<vmem>> -> memref<8x1024xf32, #tpu.memory_space<vmem>>
        tpu.wait_dma2 semaphore(%dma_wait3A_489 : memref<!tpu.dma_semaphore, #tpu.memory_space<semaphore_mem>>) src(%dma_wait3A_495 : memref<8x1024xf32, #tpu.memory_space<vmem>>) dst(%dma_wait3A_491 : memref<8x1024xf32, #tpu.memory_space<hbm>>)
      } else {
      }
      %parallel_loop3A_303 = arith.constant 0 : i32
      %parallel_loop3A_304 = arith.constant 512 : i32
      %parallel_loop3A_305 = arith.constant 1 : i32
      scf.for %parallel_loop3A_475 = %parallel_loop3A_303 to %parallel_loop3A_304 step %parallel_loop3A_305  : i32 {
        %parallel_loop3A_476 = arith.constant 6 : i32
        %parallel_loop3A_477 = arith.shrui %parallel_loop3A_475, %parallel_loop3A_476 : i32
        %parallel_loop3A_478 = arith.constant 63 : i32
        %parallel_loop3A_479 = arith.andi %parallel_loop3A_475, %parallel_loop3A_478 : i32
        %parallel_loop3A_480 = arith.constant 4 : i32
        %parallel_loop3A_481 = arith.shli %parallel_loop3A_479, %parallel_loop3A_480 : i32
        %parallel_loop3A_482 = tpu.assume_multiple %parallel_loop3A_481, 16 : i32
        %parallel_loop3A_483 = arith.constant 1 : i32
        %parallel_loop3A_484 = arith.index_cast %parallel_loop3A_483 : i32 to index
        %parallel_loop3A_485 = arith.index_cast %parallel_loop3A_477 : i32 to index
        %parallel_loop3A_486 = arith.index_cast %parallel_loop3A_482 : i32 to index
        %parallel_loop3A_487 = tpu.vector_load %arg5[%parallel_loop3A_484, %parallel_loop3A_485, %parallel_loop3A_486] {strides = array<i32>} : memref<4x8x1024xf32, #tpu.memory_space<vmem>>, vector<1x1x16xf32>,
        %parallel_loop3A_488 = vector.shape_cast %parallel_loop3A_487 : vector<1x1x16xf32> to vector<16xf32>
        %parallel_loop3A_489 = arith.constant 1 : i32
        %parallel_loop3A_490 = arith.index_cast %parallel_loop3A_489 : i32 to index
        %parallel_loop3A_491 = arith.index_cast %parallel_loop3A_477 : i32 to index
        %parallel_loop3A_492 = arith.index_cast %parallel_loop3A_482 : i32 to index
        %parallel_loop3A_493 = tpu.vector_load %arg6[%parallel_loop3A_490, %parallel_loop3A_491, %parallel_loop3A_492] {strides = array<i32>} : memref<4x8x1024xf32, #tpu.memory_space<vmem>>, vector<1x1x16xf32>,
        %parallel_loop3A_494 = vector.shape_cast %parallel_loop3A_493 : vector<1x1x16xf32> to vector<16xf32>
        %parallel_loop3A_495 = arith.addf %parallel_loop3A_488, %parallel_loop3A_494 : vector<16xf32>
        %parallel_loop3A_496 = arith.constant 1 : i32
        %parallel_loop3A_497 = arith.index_cast %parallel_loop3A_496 : i32 to index
        %parallel_loop3A_498 = arith.index_cast %parallel_loop3A_477 : i32 to index
        %parallel_loop3A_499 = arith.index_cast %parallel_loop3A_482 : i32 to index
        %parallel_loop3A_500 = tpu.vector_load %arg7[%parallel_loop3A_497, %parallel_loop3A_498, %parallel_loop3A_499] {strides = array<i32>} : memref<4x8x1024xf32, #tpu.memory_space<vmem>>, vector<1x1x16xf32>,
        %parallel_loop3A_501 = vector.shape_cast %parallel_loop3A_500 : vector<1x1x16xf32> to vector<16xf32>
        %parallel_loop3A_502 = vector.shape_cast %parallel_loop3A_495 : vector<16xf32> to vector<1x1x16xf32>
        tpu.vector_store %arg7[%parallel_loop3A_497, %parallel_loop3A_498, %parallel_loop3A_499], %parallel_loop3A_502 {strides = array<i32>} : memref<4x8x1024xf32, #tpu.memory_space<vmem>>, vector<1x1x16xf32>,
      } {sc.loop_unroll_factor = 8 : i64, sc.parallel_access}
      %mul3A_306 = arith.constant 8 : i32
      %mul3A_307 = arith.muli %add3A_253, %mul3A_306 : i32
      %add3A_308 = arith.addi %mul3A_2, %mul3A_307 : i32
      %dma_start3A_309 = arith.constant 1 : i32
      %dma_start3A_310 = arith.constant 1 : i32
      %dma_start3A_311 = arith.constant 0 : i32
      %dma_start3A_312 = arith.constant 0 : i32
      %dma_start3A_313 = tpu.memref_slice %arg7[%dma_start3A_309, %dma_start3A_311, %dma_start3A_312] : memref<4x8x1024xf32, #tpu.memory_space<vmem>> -> memref<1x8x1024xf32, #tpu.memory_space<vmem>>
      %dma_start3A_314 = tpu.memref_squeeze %dma_start3A_313 : memref<1x8x1024xf32, #tpu.memory_space<vmem>> -> memref<8x1024xf32, #tpu.memory_space<vmem>>
      %dma_start3A_315 = arith.constant 0 : i32
      %dma_start3A_316 = tpu.memref_slice %arg4[%add3A_308, %dma_start3A_315] : memref<8192x1024xf32, #tpu.memory_space<hbm>> -> memref<8x1024xf32, #tpu.memory_space<hbm>>
      %dma_start3A_317 = tpu.memref_slice %arg9[%dma_start3A_310] : memref<4x!tpu.dma_semaphore, #tpu.memory_space<semaphore_mem>> -> memref<1x!tpu.dma_semaphore, #tpu.memory_space<semaphore_mem>>
      %dma_start3A_318 = tpu.memref_squeeze %dma_start3A_317 : memref<1x!tpu.dma_semaphore, #tpu.memory_space<semaphore_mem>> -> memref<!tpu.dma_semaphore, #tpu.memory_space<semaphore_mem>>
      %dma_start3A_319 = arith.constant 0 : i32
      %dma_start3A_320 = tpu.memref_slice %arg4[%add3A_308, %dma_start3A_319] : memref<8192x1024xf32, #tpu.memory_space<hbm>> -> memref<8x1024xf32, #tpu.memory_space<hbm>>
      %dma_start3A_321 = arith.constant 0 : i32
      %dma_start3A_322 = arith.constant 0 : i32
      %dma_start3A_323 = tpu.memref_slice %arg7[%dma_start3A_309, %dma_start3A_321, %dma_start3A_322] : memref<4x8x1024xf32, #tpu.memory_space<vmem>> -> memref<1x8x1024xf32, #tpu.memory_space<vmem>>
      %dma_start3A_324 = tpu.memref_squeeze %dma_start3A_323 : memref<1x8x1024xf32, #tpu.memory_space<vmem>> -> memref<8x1024xf32, #tpu.memory_space<vmem>>
      tpu.enqueue_dma source(%dma_start3A_324 : memref<8x1024xf32, #tpu.memory_space<vmem>>) target(%dma_start3A_320 : memref<8x1024xf32, #tpu.memory_space<hbm>>) target_semaphore(%dma_start3A_318 : memref<!tpu.dma_semaphore, #tpu.memory_space<semaphore_mem>>)
      %mul3A_325 = arith.constant 4 : i32
      %mul3A_326 = arith.muli %mul3A_325, %scan3A_180 : i32
      %add3A_327 = arith.constant 2 : i32
      %add3A_328 = arith.addi %mul3A_326, %add3A_327 : i32
      %mul3A_329 = arith.constant 8 : i32
      %mul3A_330 = arith.muli %add3A_328, %mul3A_329 : i32
      %add3A_331 = arith.addi %mul3A_2, %mul3A_330 : i32
      %dma_wait3A_332 = arith.constant 2 : i32
      %dma_wait3A_333 = arith.constant 2 : i32
      %dma_wait3A_334 = arith.constant 0 : i32
      %dma_wait3A_335 = arith.constant 0 : i32
      %dma_wait3A_336 = tpu.memref_slice %arg5[%dma_wait3A_332, %dma_wait3A_334, %dma_wait3A_335] : memref<4x8x1024xf32, #tpu.memory_space<vmem>> -> memref<1x8x1024xf32, #tpu.memory_space<vmem>>
      %dma_wait3A_337 = tpu.memref_squeeze %dma_wait3A_336 : memref<1x8x1024xf32, #tpu.memory_space<vmem>> -> memref<8x1024xf32, #tpu.memory_space<vmem>>
      %dma_wait3A_338 = arith.constant 0 : i32
      %dma_wait3A_339 = tpu.memref_slice %arg2[%add3A_331, %dma_wait3A_338] : memref<8192x1024xf32, #tpu.memory_space<hbm>> -> memref<8x1024xf32, #tpu.memory_space<hbm>>
      %dma_wait3A_340 = tpu.memref_slice %arg8[%dma_wait3A_333] : memref<4x!tpu.dma_semaphore, #tpu.memory_space<semaphore_mem>> -> memref<1x!tpu.dma_semaphore, #tpu.memory_space<semaphore_mem>>
      %dma_wait3A_341 = tpu.memref_squeeze %dma_wait3A_340 : memref<1x!tpu.dma_semaphore, #tpu.memory_space<semaphore_mem>> -> memref<!tpu.dma_semaphore, #tpu.memory_space<semaphore_mem>>
      %dma_wait3A_342 = arith.constant 0 : i32
      %dma_wait3A_343 = arith.constant 0 : i32
      %dma_wait3A_344 = tpu.memref_slice %arg5[%dma_wait3A_332, %dma_wait3A_342, %dma_wait3A_343] : memref<4x8x1024xf32, #tpu.memory_space<vmem>> -> memref<1x8x1024xf32, #tpu.memory_space<vmem>>
      %dma_wait3A_345 = tpu.memref_squeeze %dma_wait3A_344 : memref<1x8x1024xf32, #tpu.memory_space<vmem>> -> memref<8x1024xf32, #tpu.memory_space<vmem>>
      %dma_wait3A_346 = arith.constant 0 : i32
      %dma_wait3A_347 = tpu.memref_slice %arg2[%add3A_331, %dma_wait3A_346] : memref<8192x1024xf32, #tpu.memory_space<hbm>> -> memref<8x1024xf32, #tpu.memory_space<hbm>>
      tpu.wait_dma2 semaphore(%dma_wait3A_341 : memref<!tpu.dma_semaphore, #tpu.memory_space<semaphore_mem>>) src(%dma_wait3A_347 : memref<8x1024xf32, #tpu.memory_space<hbm>>) dst(%dma_wait3A_345 : memref<8x1024xf32, #tpu.memory_space<vmem>>)
      %dma_wait3A_348 = arith.constant 2 : i32
      %dma_wait3A_349 = arith.constant 2 : i32
      %dma_wait3A_350 = arith.constant 0 : i32
      %dma_wait3A_351 = arith.constant 0 : i32
      %dma_wait3A_352 = tpu.memref_slice %arg6[%dma_wait3A_348, %dma_wait3A_350, %dma_wait3A_351] : memref<4x8x1024xf32, #tpu.memory_space<vmem>> -> memref<1x8x1024xf32, #tpu.memory_space<vmem>>
      %dma_wait3A_353 = tpu.memref_squeeze %dma_wait3A_352 : memref<1x8x1024xf32, #tpu.memory_space<vmem>> -> memref<8x1024xf32, #tpu.memory_space<vmem>>
      %dma_wait3A_354 = arith.constant 0 : i32
      %dma_wait3A_355 = tpu.memref_slice %arg3[%add3A_331, %dma_wait3A_354] : memref<8192x1024xf32, #tpu.memory_space<hbm>> -> memref<8x1024xf32, #tpu.memory_space<hbm>>
      %dma_wait3A_356 = tpu.memref_slice %arg8[%dma_wait3A_349] : memref<4x!tpu.dma_semaphore, #tpu.memory_space<semaphore_mem>> -> memref<1x!tpu.dma_semaphore, #tpu.memory_space<semaphore_mem>>
      %dma_wait3A_357 = tpu.memref_squeeze %dma_wait3A_356 : memref<1x!tpu.dma_semaphore, #tpu.memory_space<semaphore_mem>> -> memref<!tpu.dma_semaphore, #tpu.memory_space<semaphore_mem>>
      %dma_wait3A_358 = arith.constant 0 : i32
      %dma_wait3A_359 = arith.constant 0 : i32
      %dma_wait3A_360 = tpu.memref_slice %arg6[%dma_wait3A_348, %dma_wait3A_358, %dma_wait3A_359] : memref<4x8x1024xf32, #tpu.memory_space<vmem>> -> memref<1x8x1024xf32, #tpu.memory_space<vmem>>
      %dma_wait3A_361 = tpu.memref_squeeze %dma_wait3A_360 : memref<1x8x1024xf32, #tpu.memory_space<vmem>> -> memref<8x1024xf32, #tpu.memory_space<vmem>>
      %dma_wait3A_362 = arith.constant 0 : i32
      %dma_wait3A_363 = tpu.memref_slice %arg3[%add3A_331, %dma_wait3A_362] : memref<8192x1024xf32, #tpu.memory_space<hbm>> -> memref<8x1024xf32, #tpu.memory_space<hbm>>
      tpu.wait_dma2 semaphore(%dma_wait3A_357 : memref<!tpu.dma_semaphore, #tpu.memory_space<semaphore_mem>>) src(%dma_wait3A_363 : memref<8x1024xf32, #tpu.memory_space<hbm>>) dst(%dma_wait3A_361 : memref<8x1024xf32, #tpu.memory_space<vmem>>)
      %add3A_364 = arith.constant 4 : i32
      %add3A_365 = arith.addi %add3A_328, %add3A_364 : i32
      %sub3A_366 = arith.constant 1 : i32
      %sub3A_367 = arith.subi %add3A_365, %sub3A_366 : i32
      %lt3A_368 = arith.constant 32 : i32
      %lt3A_369 = arith.cmpi slt, %sub3A_367, %lt3A_368 : i32
      %convert_element_type3A_370 = arith.extui %lt3A_369 : i1 to i32
      %cond3A_371 = arith.constant 0 : i32
      %cond3A_372 = arith.cmpi ne, %convert_element_type3A_370, %cond3A_371 : i32
      scf.if %cond3A_372 {
        %add3A_475 = arith.constant 4 : i32
        %add3A_476 = arith.addi %add3A_328, %add3A_475 : i32
        %sub3A_477 = arith.constant 1 : i32
        %sub3A_478 = arith.subi %add3A_476, %sub3A_477 : i32
        %mul3A_479 = arith.constant 8 : i32
        %mul3A_480 = arith.muli %sub3A_478, %mul3A_479 : i32
        %add3A_481 = arith.addi %mul3A_2, %mul3A_480 : i32
        %dma_start3A_482 = arith.constant 1 : i32
        %dma_start3A_483 = arith.constant 1 : i32
        %dma_start3A_484 = arith.constant 0 : i32
        %dma_start3A_485 = arith.constant 0 : i32
        %dma_start3A_486 = tpu.memref_slice %arg5[%dma_start3A_482, %dma_start3A_484, %dma_start3A_485] : memref<4x8x1024xf32, #tpu.memory_space<vmem>> -> memref<1x8x1024xf32, #tpu.memory_space<vmem>>
        %dma_start3A_487 = tpu.memref_squeeze %dma_start3A_486 : memref<1x8x1024xf32, #tpu.memory_space<vmem>> -> memref<8x1024xf32, #tpu.memory_space<vmem>>
        %dma_start3A_488 = arith.constant 0 : i32
        %dma_start3A_489 = tpu.memref_slice %arg2[%add3A_481, %dma_start3A_488] : memref<8192x1024xf32, #tpu.memory_space<hbm>> -> memref<8x1024xf32, #tpu.memory_space<hbm>>
        %dma_start3A_490 = tpu.memref_slice %arg8[%dma_start3A_483] : memref<4x!tpu.dma_semaphore, #tpu.memory_space<semaphore_mem>> -> memref<1x!tpu.dma_semaphore, #tpu.memory_space<semaphore_mem>>
        %dma_start3A_491 = tpu.memref_squeeze %dma_start3A_490 : memref<1x!tpu.dma_semaphore, #tpu.memory_space<semaphore_mem>> -> memref<!tpu.dma_semaphore, #tpu.memory_space<semaphore_mem>>
        %dma_start3A_492 = arith.constant 0 : i32
        %dma_start3A_493 = arith.constant 0 : i32
        %dma_start3A_494 = tpu.memref_slice %arg5[%dma_start3A_482, %dma_start3A_492, %dma_start3A_493] : memref<4x8x1024xf32, #tpu.memory_space<vmem>> -> memref<1x8x1024xf32, #tpu.memory_space<vmem>>
        %dma_start3A_495 = tpu.memref_squeeze %dma_start3A_494 : memref<1x8x1024xf32, #tpu.memory_space<vmem>> -> memref<8x1024xf32, #tpu.memory_space<vmem>>
        %dma_start3A_496 = arith.constant 0 : i32
        %dma_start3A_497 = tpu.memref_slice %arg2[%add3A_481, %dma_start3A_496] : memref<8192x1024xf32, #tpu.memory_space<hbm>> -> memref<8x1024xf32, #tpu.memory_space<hbm>>
        tpu.enqueue_dma source(%dma_start3A_497 : memref<8x1024xf32, #tpu.memory_space<hbm>>) target(%dma_start3A_495 : memref<8x1024xf32, #tpu.memory_space<vmem>>) target_semaphore(%dma_start3A_491 : memref<!tpu.dma_semaphore, #tpu.memory_space<semaphore_mem>>)
        %dma_start3A_498 = arith.constant 1 : i32
        %dma_start3A_499 = arith.constant 1 : i32
        %dma_start3A_500 = arith.constant 0 : i32
        %dma_start3A_501 = arith.constant 0 : i32
        %dma_start3A_502 = tpu.memref_slice %arg6[%dma_start3A_498, %dma_start3A_500, %dma_start3A_501] : memref<4x8x1024xf32, #tpu.memory_space<vmem>> -> memref<1x8x1024xf32, #tpu.memory_space<vmem>>
        %dma_start3A_503 = tpu.memref_squeeze %dma_start3A_502 : memref<1x8x1024xf32, #tpu.memory_space<vmem>> -> memref<8x1024xf32, #tpu.memory_space<vmem>>
        %dma_start3A_504 = arith.constant 0 : i32
        %dma_start3A_505 = tpu.memref_slice %arg3[%add3A_481, %dma_start3A_504] : memref<8192x1024xf32, #tpu.memory_space<hbm>> -> memref<8x1024xf32, #tpu.memory_space<hbm>>
        %dma_start3A_506 = tpu.memref_slice %arg8[%dma_start3A_499] : memref<4x!tpu.dma_semaphore, #tpu.memory_space<semaphore_mem>> -> memref<1x!tpu.dma_semaphore, #tpu.memory_space<semaphore_mem>>
        %dma_start3A_507 = tpu.memref_squeeze %dma_start3A_506 : memref<1x!tpu.dma_semaphore, #tpu.memory_space<semaphore_mem>> -> memref<!tpu.dma_semaphore, #tpu.memory_space<semaphore_mem>>
        %dma_start3A_508 = arith.constant 0 : i32
        %dma_start3A_509 = arith.constant 0 : i32
        %dma_start3A_510 = tpu.memref_slice %arg6[%dma_start3A_498, %dma_start3A_508, %dma_start3A_509] : memref<4x8x1024xf32, #tpu.memory_space<vmem>> -> memref<1x8x1024xf32, #tpu.memory_space<vmem>>
        %dma_start3A_511 = tpu.memref_squeeze %dma_start3A_510 : memref<1x8x1024xf32, #tpu.memory_space<vmem>> -> memref<8x1024xf32, #tpu.memory_space<vmem>>
        %dma_start3A_512 = arith.constant 0 : i32
        %dma_start3A_513 = tpu.memref_slice %arg3[%add3A_481, %dma_start3A_512] : memref<8192x1024xf32, #tpu.memory_space<hbm>> -> memref<8x1024xf32, #tpu.memory_space<hbm>>
        tpu.enqueue_dma source(%dma_start3A_513 : memref<8x1024xf32, #tpu.memory_space<hbm>>) target(%dma_start3A_511 : memref<8x1024xf32, #tpu.memory_space<vmem>>) target_semaphore(%dma_start3A_507 : memref<!tpu.dma_semaphore, #tpu.memory_space<semaphore_mem>>)
      } else {
      }
      %ge3A_373 = arith.constant 4 : i32
      %ge3A_374 = arith.cmpi sge, %add3A_328, %ge3A_373 : i32
      %convert_element_type3A_375 = arith.extui %ge3A_374 : i1 to i32
      %cond3A_376 = arith.constant 0 : i32
      %cond3A_377 = arith.cmpi ne, %convert_element_type3A_375, %cond3A_376 : i32
      scf.if %cond3A_377 {
        %sub3A_475 = arith.constant 4 : i32
        %sub3A_476 = arith.subi %add3A_328, %sub3A_475 : i32
        %mul3A_477 = arith.constant 8 : i32
        %mul3A_478 = arith.muli %sub3A_476, %mul3A_477 : i32
        %add3A_479 = arith.addi %mul3A_2, %mul3A_478 : i32
        %dma_wait3A_480 = arith.constant 2 : i32
        %dma_wait3A_481 = arith.constant 2 : i32
        %dma_wait3A_482 = arith.constant 0 : i32
        %dma_wait3A_483 = arith.constant 0 : i32
        %dma_wait3A_484 = tpu.memref_slice %arg7[%dma_wait3A_480, %dma_wait3A_482, %dma_wait3A_483] : memref<4x8x1024xf32, #tpu.memory_space<vmem>> -> memref<1x8x1024xf32, #tpu.memory_space<vmem>>
        %dma_wait3A_485 = tpu.memref_squeeze %dma_wait3A_484 : memref<1x8x1024xf32, #tpu.memory_space<vmem>> -> memref<8x1024xf32, #tpu.memory_space<vmem>>
        %dma_wait3A_486 = arith.constant 0 : i32
        %dma_wait3A_487 = tpu.memref_slice %arg4[%add3A_479, %dma_wait3A_486] : memref<8192x1024xf32, #tpu.memory_space<hbm>> -> memref<8x1024xf32, #tpu.memory_space<hbm>>
        %dma_wait3A_488 = tpu.memref_slice %arg9[%dma_wait3A_481] : memref<4x!tpu.dma_semaphore, #tpu.memory_space<semaphore_mem>> -> memref<1x!tpu.dma_semaphore, #tpu.memory_space<semaphore_mem>>
        %dma_wait3A_489 = tpu.memref_squeeze %dma_wait3A_488 : memref<1x!tpu.dma_semaphore, #tpu.memory_space<semaphore_mem>> -> memref<!tpu.dma_semaphore, #tpu.memory_space<semaphore_mem>>
        %dma_wait3A_490 = arith.constant 0 : i32
        %dma_wait3A_491 = tpu.memref_slice %arg4[%add3A_479, %dma_wait3A_490] : memref<8192x1024xf32, #tpu.memory_space<hbm>> -> memref<8x1024xf32, #tpu.memory_space<hbm>>
        %dma_wait3A_492 = arith.constant 0 : i32
        %dma_wait3A_493 = arith.constant 0 : i32
        %dma_wait3A_494 = tpu.memref_slice %arg7[%dma_wait3A_480, %dma_wait3A_492, %dma_wait3A_493] : memref<4x8x1024xf32, #tpu.memory_space<vmem>> -> memref<1x8x1024xf32, #tpu.memory_space<vmem>>
        %dma_wait3A_495 = tpu.memref_squeeze %dma_wait3A_494 : memref<1x8x1024xf32, #tpu.memory_space<vmem>> -> memref<8x1024xf32, #tpu.memory_space<vmem>>
        tpu.wait_dma2 semaphore(%dma_wait3A_489 : memref<!tpu.dma_semaphore, #tpu.memory_space<semaphore_mem>>) src(%dma_wait3A_495 : memref<8x1024xf32, #tpu.memory_space<vmem>>) dst(%dma_wait3A_491 : memref<8x1024xf32, #tpu.memory_space<hbm>>)
      } else {
      }
      %parallel_loop3A_378 = arith.constant 0 : i32
      %parallel_loop3A_379 = arith.constant 512 : i32
      %parallel_loop3A_380 = arith.constant 1 : i32
      scf.for %parallel_loop3A_475 = %parallel_loop3A_378 to %parallel_loop3A_379 step %parallel_loop3A_380  : i32 {
        %parallel_loop3A_476 = arith.constant 6 : i32
        %parallel_loop3A_477 = arith.shrui %parallel_loop3A_475, %parallel_loop3A_476 : i32
        %parallel_loop3A_478 = arith.constant 63 : i32
        %parallel_loop3A_479 = arith.andi %parallel_loop3A_475, %parallel_loop3A_478 : i32
        %parallel_loop3A_480 = arith.constant 4 : i32
        %parallel_loop3A_481 = arith.shli %parallel_loop3A_479, %parallel_loop3A_480 : i32
        %parallel_loop3A_482 = tpu.assume_multiple %parallel_loop3A_481, 16 : i32
        %parallel_loop3A_483 = arith.constant 2 : i32
        %parallel_loop3A_484 = arith.index_cast %parallel_loop3A_483 : i32 to index
        %parallel_loop3A_485 = arith.index_cast %parallel_loop3A_477 : i32 to index
        %parallel_loop3A_486 = arith.index_cast %parallel_loop3A_482 : i32 to index
        %parallel_loop3A_487 = tpu.vector_load %arg5[%parallel_loop3A_484, %parallel_loop3A_485, %parallel_loop3A_486] {strides = array<i32>} : memref<4x8x1024xf32, #tpu.memory_space<vmem>>, vector<1x1x16xf32>,
        %parallel_loop3A_488 = vector.shape_cast %parallel_loop3A_487 : vector<1x1x16xf32> to vector<16xf32>
        %parallel_loop3A_489 = arith.constant 2 : i32
        %parallel_loop3A_490 = arith.index_cast %parallel_loop3A_489 : i32 to index
        %parallel_loop3A_491 = arith.index_cast %parallel_loop3A_477 : i32 to index
        %parallel_loop3A_492 = arith.index_cast %parallel_loop3A_482 : i32 to index
        %parallel_loop3A_493 = tpu.vector_load %arg6[%parallel_loop3A_490, %parallel_loop3A_491, %parallel_loop3A_492] {strides = array<i32>} : memref<4x8x1024xf32, #tpu.memory_space<vmem>>, vector<1x1x16xf32>,
        %parallel_loop3A_494 = vector.shape_cast %parallel_loop3A_493 : vector<1x1x16xf32> to vector<16xf32>
        %parallel_loop3A_495 = arith.addf %parallel_loop3A_488, %parallel_loop3A_494 : vector<16xf32>
        %parallel_loop3A_496 = arith.constant 2 : i32
        %parallel_loop3A_497 = arith.index_cast %parallel_loop3A_496 : i32 to index
        %parallel_loop3A_498 = arith.index_cast %parallel_loop3A_477 : i32 to index
        %parallel_loop3A_499 = arith.index_cast %parallel_loop3A_482 : i32 to index
        %parallel_loop3A_500 = tpu.vector_load %arg7[%parallel_loop3A_497, %parallel_loop3A_498, %parallel_loop3A_499] {strides = array<i32>} : memref<4x8x1024xf32, #tpu.memory_space<vmem>>, vector<1x1x16xf32>,
        %parallel_loop3A_501 = vector.shape_cast %parallel_loop3A_500 : vector<1x1x16xf32> to vector<16xf32>
        %parallel_loop3A_502 = vector.shape_cast %parallel_loop3A_495 : vector<16xf32> to vector<1x1x16xf32>
        tpu.vector_store %arg7[%parallel_loop3A_497, %parallel_loop3A_498, %parallel_loop3A_499], %parallel_loop3A_502 {strides = array<i32>} : memref<4x8x1024xf32, #tpu.memory_space<vmem>>, vector<1x1x16xf32>,
      } {sc.loop_unroll_factor = 8 : i64, sc.parallel_access}
      %mul3A_381 = arith.constant 8 : i32
      %mul3A_382 = arith.muli %add3A_328, %mul3A_381 : i32
      %add3A_383 = arith.addi %mul3A_2, %mul3A_382 : i32
      %dma_start3A_384 = arith.constant 2 : i32
      %dma_start3A_385 = arith.constant 2 : i32
      %dma_start3A_386 = arith.constant 0 : i32
      %dma_start3A_387 = arith.constant 0 : i32
      %dma_start3A_388 = tpu.memref_slice %arg7[%dma_start3A_384, %dma_start3A_386, %dma_start3A_387] : memref<4x8x1024xf32, #tpu.memory_space<vmem>> -> memref<1x8x1024xf32, #tpu.memory_space<vmem>>
      %dma_start3A_389 = tpu.memref_squeeze %dma_start3A_388 : memref<1x8x1024xf32, #tpu.memory_space<vmem>> -> memref<8x1024xf32, #tpu.memory_space<vmem>>
      %dma_start3A_390 = arith.constant 0 : i32
      %dma_start3A_391 = tpu.memref_slice %arg4[%add3A_383, %dma_start3A_390] : memref<8192x1024xf32, #tpu.memory_space<hbm>> -> memref<8x1024xf32, #tpu.memory_space<hbm>>
      %dma_start3A_392 = tpu.memref_slice %arg9[%dma_start3A_385] : memref<4x!tpu.dma_semaphore, #tpu.memory_space<semaphore_mem>> -> memref<1x!tpu.dma_semaphore, #tpu.memory_space<semaphore_mem>>
      %dma_start3A_393 = tpu.memref_squeeze %dma_start3A_392 : memref<1x!tpu.dma_semaphore, #tpu.memory_space<semaphore_mem>> -> memref<!tpu.dma_semaphore, #tpu.memory_space<semaphore_mem>>
      %dma_start3A_394 = arith.constant 0 : i32
      %dma_start3A_395 = tpu.memref_slice %arg4[%add3A_383, %dma_start3A_394] : memref<8192x1024xf32, #tpu.memory_space<hbm>> -> memref<8x1024xf32, #tpu.memory_space<hbm>>
      %dma_start3A_396 = arith.constant 0 : i32
      %dma_start3A_397 = arith.constant 0 : i32
      %dma_start3A_398 = tpu.memref_slice %arg7[%dma_start3A_384, %dma_start3A_396, %dma_start3A_397] : memref<4x8x1024xf32, #tpu.memory_space<vmem>> -> memref<1x8x1024xf32, #tpu.memory_space<vmem>>
      %dma_start3A_399 = tpu.memref_squeeze %dma_start3A_398 : memref<1x8x1024xf32, #tpu.memory_space<vmem>> -> memref<8x1024xf32, #tpu.memory_space<vmem>>
      tpu.enqueue_dma source(%dma_start3A_399 : memref<8x1024xf32, #tpu.memory_space<vmem>>) target(%dma_start3A_395 : memref<8x1024xf32, #tpu.memory_space<hbm>>) target_semaphore(%dma_start3A_393 : memref<!tpu.dma_semaphore, #tpu.memory_space<semaphore_mem>>)
      %mul3A_400 = arith.constant 4 : i32
      %mul3A_401 = arith.muli %mul3A_400, %scan3A_180 : i32
      %add3A_402 = arith.constant 3 : i32
      %add3A_403 = arith.addi %mul3A_401, %add3A_402 : i32
      %mul3A_404 = arith.constant 8 : i32
      %mul3A_405 = arith.muli %add3A_403, %mul3A_404 : i32
      %add3A_406 = arith.addi %mul3A_2, %mul3A_405 : i32
      %dma_wait3A_407 = arith.constant 3 : i32
      %dma_wait3A_408 = arith.constant 3 : i32
      %dma_wait3A_409 = arith.constant 0 : i32
      %dma_wait3A_410 = arith.constant 0 : i32
      %dma_wait3A_411 = tpu.memref_slice %arg5[%dma_wait3A_407, %dma_wait3A_409, %dma_wait3A_410] : memref<4x8x1024xf32, #tpu.memory_space<vmem>> -> memref<1x8x1024xf32, #tpu.memory_space<vmem>>
      %dma_wait3A_412 = tpu.memref_squeeze %dma_wait3A_411 : memref<1x8x1024xf32, #tpu.memory_space<vmem>> -> memref<8x1024xf32, #tpu.memory_space<vmem>>
      %dma_wait3A_413 = arith.constant 0 : i32
      %dma_wait3A_414 = tpu.memref_slice %arg2[%add3A_406, %dma_wait3A_413] : memref<8192x1024xf32, #tpu.memory_space<hbm>> -> memref<8x1024xf32, #tpu.memory_space<hbm>>
      %dma_wait3A_415 = tpu.memref_slice %arg8[%dma_wait3A_408] : memref<4x!tpu.dma_semaphore, #tpu.memory_space<semaphore_mem>> -> memref<1x!tpu.dma_semaphore, #tpu.memory_space<semaphore_mem>>
      %dma_wait3A_416 = tpu.memref_squeeze %dma_wait3A_415 : memref<1x!tpu.dma_semaphore, #tpu.memory_space<semaphore_mem>> -> memref<!tpu.dma_semaphore, #tpu.memory_space<semaphore_mem>>
      %dma_wait3A_417 = arith.constant 0 : i32
      %dma_wait3A_418 = arith.constant 0 : i32
      %dma_wait3A_419 = tpu.memref_slice %arg5[%dma_wait3A_407, %dma_wait3A_417, %dma_wait3A_418] : memref<4x8x1024xf32, #tpu.memory_space<vmem>> -> memref<1x8x1024xf32, #tpu.memory_space<vmem>>
      %dma_wait3A_420 = tpu.memref_squeeze %dma_wait3A_419 : memref<1x8x1024xf32, #tpu.memory_space<vmem>> -> memref<8x1024xf32, #tpu.memory_space<vmem>>
      %dma_wait3A_421 = arith.constant 0 : i32
      %dma_wait3A_422 = tpu.memref_slice %arg2[%add3A_406, %dma_wait3A_421] : memref<8192x1024xf32, #tpu.memory_space<hbm>> -> memref<8x1024xf32, #tpu.memory_space<hbm>>
      tpu.wait_dma2 semaphore(%dma_wait3A_416 : memref<!tpu.dma_semaphore, #tpu.memory_space<semaphore_mem>>) src(%dma_wait3A_422 : memref<8x1024xf32, #tpu.memory_space<hbm>>) dst(%dma_wait3A_420 : memref<8x1024xf32, #tpu.memory_space<vmem>>)
      %dma_wait3A_423 = arith.constant 3 : i32
      %dma_wait3A_424 = arith.constant 3 : i32
      %dma_wait3A_425 = arith.constant 0 : i32
      %dma_wait3A_426 = arith.constant 0 : i32
      %dma_wait3A_427 = tpu.memref_slice %arg6[%dma_wait3A_423, %dma_wait3A_425, %dma_wait3A_426] : memref<4x8x1024xf32, #tpu.memory_space<vmem>> -> memref<1x8x1024xf32, #tpu.memory_space<vmem>>
      %dma_wait3A_428 = tpu.memref_squeeze %dma_wait3A_427 : memref<1x8x1024xf32, #tpu.memory_space<vmem>> -> memref<8x1024xf32, #tpu.memory_space<vmem>>
      %dma_wait3A_429 = arith.constant 0 : i32
      %dma_wait3A_430 = tpu.memref_slice %arg3[%add3A_406, %dma_wait3A_429] : memref<8192x1024xf32, #tpu.memory_space<hbm>> -> memref<8x1024xf32, #tpu.memory_space<hbm>>
      %dma_wait3A_431 = tpu.memref_slice %arg8[%dma_wait3A_424] : memref<4x!tpu.dma_semaphore, #tpu.memory_space<semaphore_mem>> -> memref<1x!tpu.dma_semaphore, #tpu.memory_space<semaphore_mem>>
      %dma_wait3A_432 = tpu.memref_squeeze %dma_wait3A_431 : memref<1x!tpu.dma_semaphore, #tpu.memory_space<semaphore_mem>> -> memref<!tpu.dma_semaphore, #tpu.memory_space<semaphore_mem>>
      %dma_wait3A_433 = arith.constant 0 : i32
      %dma_wait3A_434 = arith.constant 0 : i32
      %dma_wait3A_435 = tpu.memref_slice %arg6[%dma_wait3A_423, %dma_wait3A_433, %dma_wait3A_434] : memref<4x8x1024xf32, #tpu.memory_space<vmem>> -> memref<1x8x1024xf32, #tpu.memory_space<vmem>>
      %dma_wait3A_436 = tpu.memref_squeeze %dma_wait3A_435 : memref<1x8x1024xf32, #tpu.memory_space<vmem>> -> memref<8x1024xf32, #tpu.memory_space<vmem>>
      %dma_wait3A_437 = arith.constant 0 : i32
      %dma_wait3A_438 = tpu.memref_slice %arg3[%add3A_406, %dma_wait3A_437] : memref<8192x1024xf32, #tpu.memory_space<hbm>> -> memref<8x1024xf32, #tpu.memory_space<hbm>>
      tpu.wait_dma2 semaphore(%dma_wait3A_432 : memref<!tpu.dma_semaphore, #tpu.memory_space<semaphore_mem>>) src(%dma_wait3A_438 : memref<8x1024xf32, #tpu.memory_space<hbm>>) dst(%dma_wait3A_436 : memref<8x1024xf32, #tpu.memory_space<vmem>>)
      %add3A_439 = arith.constant 4 : i32
      %add3A_440 = arith.addi %add3A_403, %add3A_439 : i32
      %sub3A_441 = arith.constant 1 : i32
      %sub3A_442 = arith.subi %add3A_440, %sub3A_441 : i32
      %lt3A_443 = arith.constant 32 : i32
      %lt3A_444 = arith.cmpi slt, %sub3A_442, %lt3A_443 : i32
      %convert_element_type3A_445 = arith.extui %lt3A_444 : i1 to i32
      %cond3A_446 = arith.constant 0 : i32
      %cond3A_447 = arith.cmpi ne, %convert_element_type3A_445, %cond3A_446 : i32
      scf.if %cond3A_447 {
        %add3A_475 = arith.constant 4 : i32
        %add3A_476 = arith.addi %add3A_403, %add3A_475 : i32
        %sub3A_477 = arith.constant 1 : i32
        %sub3A_478 = arith.subi %add3A_476, %sub3A_477 : i32
        %mul3A_479 = arith.constant 8 : i32
        %mul3A_480 = arith.muli %sub3A_478, %mul3A_479 : i32
        %add3A_481 = arith.addi %mul3A_2, %mul3A_480 : i32
        %dma_start3A_482 = arith.constant 2 : i32
        %dma_start3A_483 = arith.constant 2 : i32
        %dma_start3A_484 = arith.constant 0 : i32
        %dma_start3A_485 = arith.constant 0 : i32
        %dma_start3A_486 = tpu.memref_slice %arg5[%dma_start3A_482, %dma_start3A_484, %dma_start3A_485] : memref<4x8x1024xf32, #tpu.memory_space<vmem>> -> memref<1x8x1024xf32, #tpu.memory_space<vmem>>
        %dma_start3A_487 = tpu.memref_squeeze %dma_start3A_486 : memref<1x8x1024xf32, #tpu.memory_space<vmem>> -> memref<8x1024xf32, #tpu.memory_space<vmem>>
        %dma_start3A_488 = arith.constant 0 : i32
        %dma_start3A_489 = tpu.memref_slice %arg2[%add3A_481, %dma_start3A_488] : memref<8192x1024xf32, #tpu.memory_space<hbm>> -> memref<8x1024xf32, #tpu.memory_space<hbm>>
        %dma_start3A_490 = tpu.memref_slice %arg8[%dma_start3A_483] : memref<4x!tpu.dma_semaphore, #tpu.memory_space<semaphore_mem>> -> memref<1x!tpu.dma_semaphore, #tpu.memory_space<semaphore_mem>>
        %dma_start3A_491 = tpu.memref_squeeze %dma_start3A_490 : memref<1x!tpu.dma_semaphore, #tpu.memory_space<semaphore_mem>> -> memref<!tpu.dma_semaphore, #tpu.memory_space<semaphore_mem>>
        %dma_start3A_492 = arith.constant 0 : i32
        %dma_start3A_493 = arith.constant 0 : i32
        %dma_start3A_494 = tpu.memref_slice %arg5[%dma_start3A_482, %dma_start3A_492, %dma_start3A_493] : memref<4x8x1024xf32, #tpu.memory_space<vmem>> -> memref<1x8x1024xf32, #tpu.memory_space<vmem>>
        %dma_start3A_495 = tpu.memref_squeeze %dma_start3A_494 : memref<1x8x1024xf32, #tpu.memory_space<vmem>> -> memref<8x1024xf32, #tpu.memory_space<vmem>>
        %dma_start3A_496 = arith.constant 0 : i32
        %dma_start3A_497 = tpu.memref_slice %arg2[%add3A_481, %dma_start3A_496] : memref<8192x1024xf32, #tpu.memory_space<hbm>> -> memref<8x1024xf32, #tpu.memory_space<hbm>>
        tpu.enqueue_dma source(%dma_start3A_497 : memref<8x1024xf32, #tpu.memory_space<hbm>>) target(%dma_start3A_495 : memref<8x1024xf32, #tpu.memory_space<vmem>>) target_semaphore(%dma_start3A_491 : memref<!tpu.dma_semaphore, #tpu.memory_space<semaphore_mem>>)
        %dma_start3A_498 = arith.constant 2 : i32
        %dma_start3A_499 = arith.constant 2 : i32
        %dma_start3A_500 = arith.constant 0 : i32
        %dma_start3A_501 = arith.constant 0 : i32
        %dma_start3A_502 = tpu.memref_slice %arg6[%dma_start3A_498, %dma_start3A_500, %dma_start3A_501] : memref<4x8x1024xf32, #tpu.memory_space<vmem>> -> memref<1x8x1024xf32, #tpu.memory_space<vmem>>
        %dma_start3A_503 = tpu.memref_squeeze %dma_start3A_502 : memref<1x8x1024xf32, #tpu.memory_space<vmem>> -> memref<8x1024xf32, #tpu.memory_space<vmem>>
        %dma_start3A_504 = arith.constant 0 : i32
        %dma_start3A_505 = tpu.memref_slice %arg3[%add3A_481, %dma_start3A_504] : memref<8192x1024xf32, #tpu.memory_space<hbm>> -> memref<8x1024xf32, #tpu.memory_space<hbm>>
        %dma_start3A_506 = tpu.memref_slice %arg8[%dma_start3A_499] : memref<4x!tpu.dma_semaphore, #tpu.memory_space<semaphore_mem>> -> memref<1x!tpu.dma_semaphore, #tpu.memory_space<semaphore_mem>>
        %dma_start3A_507 = tpu.memref_squeeze %dma_start3A_506 : memref<1x!tpu.dma_semaphore, #tpu.memory_space<semaphore_mem>> -> memref<!tpu.dma_semaphore, #tpu.memory_space<semaphore_mem>>
        %dma_start3A_508 = arith.constant 0 : i32
        %dma_start3A_509 = arith.constant 0 : i32
        %dma_start3A_510 = tpu.memref_slice %arg6[%dma_start3A_498, %dma_start3A_508, %dma_start3A_509] : memref<4x8x1024xf32, #tpu.memory_space<vmem>> -> memref<1x8x1024xf32, #tpu.memory_space<vmem>>
        %dma_start3A_511 = tpu.memref_squeeze %dma_start3A_510 : memref<1x8x1024xf32, #tpu.memory_space<vmem>> -> memref<8x1024xf32, #tpu.memory_space<vmem>>
        %dma_start3A_512 = arith.constant 0 : i32
        %dma_start3A_513 = tpu.memref_slice %arg3[%add3A_481, %dma_start3A_512] : memref<8192x1024xf32, #tpu.memory_space<hbm>> -> memref<8x1024xf32, #tpu.memory_space<hbm>>
        tpu.enqueue_dma source(%dma_start3A_513 : memref<8x1024xf32, #tpu.memory_space<hbm>>) target(%dma_start3A_511 : memref<8x1024xf32, #tpu.memory_space<vmem>>) target_semaphore(%dma_start3A_507 : memref<!tpu.dma_semaphore, #tpu.memory_space<semaphore_mem>>)
      } else {
      }
      %ge3A_448 = arith.constant 4 : i32
      %ge3A_449 = arith.cmpi sge, %add3A_403, %ge3A_448 : i32
      %convert_element_type3A_450 = arith.extui %ge3A_449 : i1 to i32
      %cond3A_451 = arith.constant 0 : i32
      %cond3A_452 = arith.cmpi ne, %convert_element_type3A_450, %cond3A_451 : i32
      scf.if %cond3A_452 {
        %sub3A_475 = arith.constant 4 : i32
        %sub3A_476 = arith.subi %add3A_403, %sub3A_475 : i32
        %mul3A_477 = arith.constant 8 : i32
        %mul3A_478 = arith.muli %sub3A_476, %mul3A_477 : i32
        %add3A_479 = arith.addi %mul3A_2, %mul3A_478 : i32
        %dma_wait3A_480 = arith.constant 3 : i32
        %dma_wait3A_481 = arith.constant 3 : i32
        %dma_wait3A_482 = arith.constant 0 : i32
        %dma_wait3A_483 = arith.constant 0 : i32
        %dma_wait3A_484 = tpu.memref_slice %arg7[%dma_wait3A_480, %dma_wait3A_482, %dma_wait3A_483] : memref<4x8x1024xf32, #tpu.memory_space<vmem>> -> memref<1x8x1024xf32, #tpu.memory_space<vmem>>
        %dma_wait3A_485 = tpu.memref_squeeze %dma_wait3A_484 : memref<1x8x1024xf32, #tpu.memory_space<vmem>> -> memref<8x1024xf32, #tpu.memory_space<vmem>>
        %dma_wait3A_486 = arith.constant 0 : i32
        %dma_wait3A_487 = tpu.memref_slice %arg4[%add3A_479, %dma_wait3A_486] : memref<8192x1024xf32, #tpu.memory_space<hbm>> -> memref<8x1024xf32, #tpu.memory_space<hbm>>
        %dma_wait3A_488 = tpu.memref_slice %arg9[%dma_wait3A_481] : memref<4x!tpu.dma_semaphore, #tpu.memory_space<semaphore_mem>> -> memref<1x!tpu.dma_semaphore, #tpu.memory_space<semaphore_mem>>
        %dma_wait3A_489 = tpu.memref_squeeze %dma_wait3A_488 : memref<1x!tpu.dma_semaphore, #tpu.memory_space<semaphore_mem>> -> memref<!tpu.dma_semaphore, #tpu.memory_space<semaphore_mem>>
        %dma_wait3A_490 = arith.constant 0 : i32
        %dma_wait3A_491 = tpu.memref_slice %arg4[%add3A_479, %dma_wait3A_490] : memref<8192x1024xf32, #tpu.memory_space<hbm>> -> memref<8x1024xf32, #tpu.memory_space<hbm>>
        %dma_wait3A_492 = arith.constant 0 : i32
        %dma_wait3A_493 = arith.constant 0 : i32
        %dma_wait3A_494 = tpu.memref_slice %arg7[%dma_wait3A_480, %dma_wait3A_492, %dma_wait3A_493] : memref<4x8x1024xf32, #tpu.memory_space<vmem>> -> memref<1x8x1024xf32, #tpu.memory_space<vmem>>
        %dma_wait3A_495 = tpu.memref_squeeze %dma_wait3A_494 : memref<1x8x1024xf32, #tpu.memory_space<vmem>> -> memref<8x1024xf32, #tpu.memory_space<vmem>>
        tpu.wait_dma2 semaphore(%dma_wait3A_489 : memref<!tpu.dma_semaphore, #tpu.memory_space<semaphore_mem>>) src(%dma_wait3A_495 : memref<8x1024xf32, #tpu.memory_space<vmem>>) dst(%dma_wait3A_491 : memref<8x1024xf32, #tpu.memory_space<hbm>>)
      } else {
      }
      %parallel_loop3A_453 = arith.constant 0 : i32
      %parallel_loop3A_454 = arith.constant 512 : i32
      %parallel_loop3A_455 = arith.constant 1 : i32
      scf.for %parallel_loop3A_475 = %parallel_loop3A_453 to %parallel_loop3A_454 step %parallel_loop3A_455  : i32 {
        %parallel_loop3A_476 = arith.constant 6 : i32
        %parallel_loop3A_477 = arith.shrui %parallel_loop3A_475, %parallel_loop3A_476 : i32
        %parallel_loop3A_478 = arith.constant 63 : i32
        %parallel_loop3A_479 = arith.andi %parallel_loop3A_475, %parallel_loop3A_478 : i32
        %parallel_loop3A_480 = arith.constant 4 : i32
        %parallel_loop3A_481 = arith.shli %parallel_loop3A_479, %parallel_loop3A_480 : i32
        %parallel_loop3A_482 = tpu.assume_multiple %parallel_loop3A_481, 16 : i32
        %parallel_loop3A_483 = arith.constant 3 : i32
        %parallel_loop3A_484 = arith.index_cast %parallel_loop3A_483 : i32 to index
        %parallel_loop3A_485 = arith.index_cast %parallel_loop3A_477 : i32 to index
        %parallel_loop3A_486 = arith.index_cast %parallel_loop3A_482 : i32 to index
        %parallel_loop3A_487 = tpu.vector_load %arg5[%parallel_loop3A_484, %parallel_loop3A_485, %parallel_loop3A_486] {strides = array<i32>} : memref<4x8x1024xf32, #tpu.memory_space<vmem>>, vector<1x1x16xf32>,
        %parallel_loop3A_488 = vector.shape_cast %parallel_loop3A_487 : vector<1x1x16xf32> to vector<16xf32>
        %parallel_loop3A_489 = arith.constant 3 : i32
        %parallel_loop3A_490 = arith.index_cast %parallel_loop3A_489 : i32 to index
        %parallel_loop3A_491 = arith.index_cast %parallel_loop3A_477 : i32 to index
        %parallel_loop3A_492 = arith.index_cast %parallel_loop3A_482 : i32 to index
        %parallel_loop3A_493 = tpu.vector_load %arg6[%parallel_loop3A_490, %parallel_loop3A_491, %parallel_loop3A_492] {strides = array<i32>} : memref<4x8x1024xf32, #tpu.memory_space<vmem>>, vector<1x1x16xf32>,
        %parallel_loop3A_494 = vector.shape_cast %parallel_loop3A_493 : vector<1x1x16xf32> to vector<16xf32>
        %parallel_loop3A_495 = arith.addf %parallel_loop3A_488, %parallel_loop3A_494 : vector<16xf32>
        %parallel_loop3A_496 = arith.constant 3 : i32
        %parallel_loop3A_497 = arith.index_cast %parallel_loop3A_496 : i32 to index
        %parallel_loop3A_498 = arith.index_cast %parallel_loop3A_477 : i32 to index
        %parallel_loop3A_499 = arith.index_cast %parallel_loop3A_482 : i32 to index
        %parallel_loop3A_500 = tpu.vector_load %arg7[%parallel_loop3A_497, %parallel_loop3A_498, %parallel_loop3A_499] {strides = array<i32>} : memref<4x8x1024xf32, #tpu.memory_space<vmem>>, vector<1x1x16xf32>,
        %parallel_loop3A_501 = vector.shape_cast %parallel_loop3A_500 : vector<1x1x16xf32> to vector<16xf32>
        %parallel_loop3A_502 = vector.shape_cast %parallel_loop3A_495 : vector<16xf32> to vector<1x1x16xf32>
        tpu.vector_store %arg7[%parallel_loop3A_497, %parallel_loop3A_498, %parallel_loop3A_499], %parallel_loop3A_502 {strides = array<i32>} : memref<4x8x1024xf32, #tpu.memory_space<vmem>>, vector<1x1x16xf32>,
      } {sc.loop_unroll_factor = 8 : i64, sc.parallel_access}
      %mul3A_456 = arith.constant 8 : i32
      %mul3A_457 = arith.muli %add3A_403, %mul3A_456 : i32
      %add3A_458 = arith.addi %mul3A_2, %mul3A_457 : i32
      %dma_start3A_459 = arith.constant 3 : i32
      %dma_start3A_460 = arith.constant 3 : i32
      %dma_start3A_461 = arith.constant 0 : i32
      %dma_start3A_462 = arith.constant 0 : i32
      %dma_start3A_463 = tpu.memref_slice %arg7[%dma_start3A_459, %dma_start3A_461, %dma_start3A_462] : memref<4x8x1024xf32, #tpu.memory_space<vmem>> -> memref<1x8x1024xf32, #tpu.memory_space<vmem>>
      %dma_start3A_464 = tpu.memref_squeeze %dma_start3A_463 : memref<1x8x1024xf32, #tpu.memory_space<vmem>> -> memref<8x1024xf32, #tpu.memory_space<vmem>>
      %dma_start3A_465 = arith.constant 0 : i32
      %dma_start3A_466 = tpu.memref_slice %arg4[%add3A_458, %dma_start3A_465] : memref<8192x1024xf32, #tpu.memory_space<hbm>> -> memref<8x1024xf32, #tpu.memory_space<hbm>>
      %dma_start3A_467 = tpu.memref_slice %arg9[%dma_start3A_460] : memref<4x!tpu.dma_semaphore, #tpu.memory_space<semaphore_mem>> -> memref<1x!tpu.dma_semaphore, #tpu.memory_space<semaphore_mem>>
      %dma_start3A_468 = tpu.memref_squeeze %dma_start3A_467 : memref<1x!tpu.dma_semaphore, #tpu.memory_space<semaphore_mem>> -> memref<!tpu.dma_semaphore, #tpu.memory_space<semaphore_mem>>
      %dma_start3A_469 = arith.constant 0 : i32
      %dma_start3A_470 = tpu.memref_slice %arg4[%add3A_458, %dma_start3A_469] : memref<8192x1024xf32, #tpu.memory_space<hbm>> -> memref<8x1024xf32, #tpu.memory_space<hbm>>
      %dma_start3A_471 = arith.constant 0 : i32
      %dma_start3A_472 = arith.constant 0 : i32
      %dma_start3A_473 = tpu.memref_slice %arg7[%dma_start3A_459, %dma_start3A_471, %dma_start3A_472] : memref<4x8x1024xf32, #tpu.memory_space<vmem>> -> memref<1x8x1024xf32, #tpu.memory_space<vmem>>
      %dma_start3A_474 = tpu.memref_squeeze %dma_start3A_473 : memref<1x8x1024xf32, #tpu.memory_space<vmem>> -> memref<8x1024xf32, #tpu.memory_space<vmem>>
      tpu.enqueue_dma source(%dma_start3A_474 : memref<8x1024xf32, #tpu.memory_space<vmem>>) target(%dma_start3A_470 : memref<8x1024xf32, #tpu.memory_space<hbm>>) target_semaphore(%dma_start3A_468 : memref<!tpu.dma_semaphore, #tpu.memory_space<semaphore_mem>>)
    }
    %scan3A_108 = arith.constant 8 : i32
    %add3A_109 = arith.constant 224 : i32
    %add3A_110 = arith.addi %mul3A_2, %add3A_109 : i32
    %dma_wait3A = arith.constant 0 : i32
    %dma_wait3A_111 = arith.constant 0 : i32
    %dma_wait3A_112 = arith.constant 0 : i32
    %dma_wait3A_113 = arith.constant 0 : i32
    %dma_wait3A_114 = tpu.memref_slice %arg7[%dma_wait3A, %dma_wait3A_112, %dma_wait3A_113] : memref<4x8x1024xf32, #tpu.memory_space<vmem>> -> memref<1x8x1024xf32, #tpu.memory_space<vmem>>
    %dma_wait3A_115 = tpu.memref_squeeze %dma_wait3A_114 : memref<1x8x1024xf32, #tpu.memory_space<vmem>> -> memref<8x1024xf32, #tpu.memory_space<vmem>>
    %dma_wait3A_116 = arith.constant 0 : i32
    %dma_wait3A_117 = tpu.memref_slice %arg4[%add3A_110, %dma_wait3A_116] : memref<8192x1024xf32, #tpu.memory_space<hbm>> -> memref<8x1024xf32, #tpu.memory_space<hbm>>
    %dma_wait3A_118 = tpu.memref_slice %arg9[%dma_wait3A_111] : memref<4x!tpu.dma_semaphore, #tpu.memory_space<semaphore_mem>> -> memref<1x!tpu.dma_semaphore, #tpu.memory_space<semaphore_mem>>
    %dma_wait3A_119 = tpu.memref_squeeze %dma_wait3A_118 : memref<1x!tpu.dma_semaphore, #tpu.memory_space<semaphore_mem>> -> memref<!tpu.dma_semaphore, #tpu.memory_space<semaphore_mem>>
    %dma_wait3A_120 = arith.constant 0 : i32
    %dma_wait3A_121 = tpu.memref_slice %arg4[%add3A_110, %dma_wait3A_120] : memref<8192x1024xf32, #tpu.memory_space<hbm>> -> memref<8x1024xf32, #tpu.memory_space<hbm>>
    %dma_wait3A_122 = arith.constant 0 : i32
    %dma_wait3A_123 = arith.constant 0 : i32
    %dma_wait3A_124 = tpu.memref_slice %arg7[%dma_wait3A, %dma_wait3A_122, %dma_wait3A_123] : memref<4x8x1024xf32, #tpu.memory_space<vmem>> -> memref<1x8x1024xf32, #tpu.memory_space<vmem>>
    %dma_wait3A_125 = tpu.memref_squeeze %dma_wait3A_124 : memref<1x8x1024xf32, #tpu.memory_space<vmem>> -> memref<8x1024xf32, #tpu.memory_space<vmem>>
    tpu.wait_dma2 semaphore(%dma_wait3A_119 : memref<!tpu.dma_semaphore, #tpu.memory_space<semaphore_mem>>) src(%dma_wait3A_125 : memref<8x1024xf32, #tpu.memory_space<vmem>>) dst(%dma_wait3A_121 : memref<8x1024xf32, #tpu.memory_space<hbm>>)
    %add3A_126 = arith.constant 232 : i32
    %add3A_127 = arith.addi %mul3A_2, %add3A_126 : i32
    %dma_wait3A_128 = arith.constant 1 : i32
    %dma_wait3A_129 = arith.constant 1 : i32
    %dma_wait3A_130 = arith.constant 0 : i32
    %dma_wait3A_131 = arith.constant 0 : i32
    %dma_wait3A_132 = tpu.memref_slice %arg7[%dma_wait3A_128, %dma_wait3A_130, %dma_wait3A_131] : memref<4x8x1024xf32, #tpu.memory_space<vmem>> -> memref<1x8x1024xf32, #tpu.memory_space<vmem>>
    %dma_wait3A_133 = tpu.memref_squeeze %dma_wait3A_132 : memref<1x8x1024xf32, #tpu.memory_space<vmem>> -> memref<8x1024xf32, #tpu.memory_space<vmem>>
    %dma_wait3A_134 = arith.constant 0 : i32
    %dma_wait3A_135 = tpu.memref_slice %arg4[%add3A_127, %dma_wait3A_134] : memref<8192x1024xf32, #tpu.memory_space<hbm>> -> memref<8x1024xf32, #tpu.memory_space<hbm>>
    %dma_wait3A_136 = tpu.memref_slice %arg9[%dma_wait3A_129] : memref<4x!tpu.dma_semaphore, #tpu.memory_space<semaphore_mem>> -> memref<1x!tpu.dma_semaphore, #tpu.memory_space<semaphore_mem>>
    %dma_wait3A_137 = tpu.memref_squeeze %dma_wait3A_136 : memref<1x!tpu.dma_semaphore, #tpu.memory_space<semaphore_mem>> -> memref<!tpu.dma_semaphore, #tpu.memory_space<semaphore_mem>>
    %dma_wait3A_138 = arith.constant 0 : i32
    %dma_wait3A_139 = tpu.memref_slice %arg4[%add3A_127, %dma_wait3A_138] : memref<8192x1024xf32, #tpu.memory_space<hbm>> -> memref<8x1024xf32, #tpu.memory_space<hbm>>
    %dma_wait3A_140 = arith.constant 0 : i32
    %dma_wait3A_141 = arith.constant 0 : i32
    %dma_wait3A_142 = tpu.memref_slice %arg7[%dma_wait3A_128, %dma_wait3A_140, %dma_wait3A_141] : memref<4x8x1024xf32, #tpu.memory_space<vmem>> -> memref<1x8x1024xf32, #tpu.memory_space<vmem>>
    %dma_wait3A_143 = tpu.memref_squeeze %dma_wait3A_142 : memref<1x8x1024xf32, #tpu.memory_space<vmem>> -> memref<8x1024xf32, #tpu.memory_space<vmem>>
    tpu.wait_dma2 semaphore(%dma_wait3A_137 : memref<!tpu.dma_semaphore, #tpu.memory_space<semaphore_mem>>) src(%dma_wait3A_143 : memref<8x1024xf32, #tpu.memory_space<vmem>>) dst(%dma_wait3A_139 : memref<8x1024xf32, #tpu.memory_space<hbm>>)
    %add3A_144 = arith.constant 240 : i32
    %add3A_145 = arith.addi %mul3A_2, %add3A_144 : i32
    %dma_wait3A_146 = arith.constant 2 : i32
    %dma_wait3A_147 = arith.constant 2 : i32
    %dma_wait3A_148 = arith.constant 0 : i32
    %dma_wait3A_149 = arith.constant 0 : i32
    %dma_wait3A_150 = tpu.memref_slice %arg7[%dma_wait3A_146, %dma_wait3A_148, %dma_wait3A_149] : memref<4x8x1024xf32, #tpu.memory_space<vmem>> -> memref<1x8x1024xf32, #tpu.memory_space<vmem>>
    %dma_wait3A_151 = tpu.memref_squeeze %dma_wait3A_150 : memref<1x8x1024xf32, #tpu.memory_space<vmem>> -> memref<8x1024xf32, #tpu.memory_space<vmem>>
    %dma_wait3A_152 = arith.constant 0 : i32
    %dma_wait3A_153 = tpu.memref_slice %arg4[%add3A_145, %dma_wait3A_152] : memref<8192x1024xf32, #tpu.memory_space<hbm>> -> memref<8x1024xf32, #tpu.memory_space<hbm>>
    %dma_wait3A_154 = tpu.memref_slice %arg9[%dma_wait3A_147] : memref<4x!tpu.dma_semaphore, #tpu.memory_space<semaphore_mem>> -> memref<1x!tpu.dma_semaphore, #tpu.memory_space<semaphore_mem>>
    %dma_wait3A_155 = tpu.memref_squeeze %dma_wait3A_154 : memref<1x!tpu.dma_semaphore, #tpu.memory_space<semaphore_mem>> -> memref<!tpu.dma_semaphore, #tpu.memory_space<semaphore_mem>>
    %dma_wait3A_156 = arith.constant 0 : i32
    %dma_wait3A_157 = tpu.memref_slice %arg4[%add3A_145, %dma_wait3A_156] : memref<8192x1024xf32, #tpu.memory_space<hbm>> -> memref<8x1024xf32, #tpu.memory_space<hbm>>
    %dma_wait3A_158 = arith.constant 0 : i32
    %dma_wait3A_159 = arith.constant 0 : i32
    %dma_wait3A_160 = tpu.memref_slice %arg7[%dma_wait3A_146, %dma_wait3A_158, %dma_wait3A_159] : memref<4x8x1024xf32, #tpu.memory_space<vmem>> -> memref<1x8x1024xf32, #tpu.memory_space<vmem>>
    %dma_wait3A_161 = tpu.memref_squeeze %dma_wait3A_160 : memref<1x8x1024xf32, #tpu.memory_space<vmem>> -> memref<8x1024xf32, #tpu.memory_space<vmem>>
    tpu.wait_dma2 semaphore(%dma_wait3A_155 : memref<!tpu.dma_semaphore, #tpu.memory_space<semaphore_mem>>) src(%dma_wait3A_161 : memref<8x1024xf32, #tpu.memory_space<vmem>>) dst(%dma_wait3A_157 : memref<8x1024xf32, #tpu.memory_space<hbm>>)
    %add3A_162 = arith.constant 248 : i32
    %add3A_163 = arith.addi %mul3A_2, %add3A_162 : i32
    %dma_wait3A_164 = arith.constant 3 : i32
    %dma_wait3A_165 = arith.constant 3 : i32
    %dma_wait3A_166 = arith.constant 0 : i32
    %dma_wait3A_167 = arith.constant 0 : i32
    %dma_wait3A_168 = tpu.memref_slice %arg7[%dma_wait3A_164, %dma_wait3A_166, %dma_wait3A_167] : memref<4x8x1024xf32, #tpu.memory_space<vmem>> -> memref<1x8x1024xf32, #tpu.memory_space<vmem>>
    %dma_wait3A_169 = tpu.memref_squeeze %dma_wait3A_168 : memref<1x8x1024xf32, #tpu.memory_space<vmem>> -> memref<8x1024xf32, #tpu.memory_space<vmem>>
    %dma_wait3A_170 = arith.constant 0 : i32
    %dma_wait3A_171 = tpu.memref_slice %arg4[%add3A_163, %dma_wait3A_170] : memref<8192x1024xf32, #tpu.memory_space<hbm>> -> memref<8x1024xf32, #tpu.memory_space<hbm>>
    %dma_wait3A_172 = tpu.memref_slice %arg9[%dma_wait3A_165] : memref<4x!tpu.dma_semaphore, #tpu.memory_space<semaphore_mem>> -> memref<1x!tpu.dma_semaphore, #tpu.memory_space<semaphore_mem>>
    %dma_wait3A_173 = tpu.memref_squeeze %dma_wait3A_172 : memref<1x!tpu.dma_semaphore, #tpu.memory_space<semaphore_mem>> -> memref<!tpu.dma_semaphore, #tpu.memory_space<semaphore_mem>>
    %dma_wait3A_174 = arith.constant 0 : i32
    %dma_wait3A_175 = tpu.memref_slice %arg4[%add3A_163, %dma_wait3A_174] : memref<8192x1024xf32, #tpu.memory_space<hbm>> -> memref<8x1024xf32, #tpu.memory_space<hbm>>
    %dma_wait3A_176 = arith.constant 0 : i32
    %dma_wait3A_177 = arith.constant 0 : i32
    %dma_wait3A_178 = tpu.memref_slice %arg7[%dma_wait3A_164, %dma_wait3A_176, %dma_wait3A_177] : memref<4x8x1024xf32, #tpu.memory_space<vmem>> -> memref<1x8x1024xf32, #tpu.memory_space<vmem>>
    %dma_wait3A_179 = tpu.memref_squeeze %dma_wait3A_178 : memref<1x8x1024xf32, #tpu.memory_space<vmem>> -> memref<8x1024xf32, #tpu.memory_space<vmem>>
    tpu.wait_dma2 semaphore(%dma_wait3A_173 : memref<!tpu.dma_semaphore, #tpu.memory_space<semaphore_mem>>) src(%dma_wait3A_179 : memref<8x1024xf32, #tpu.memory_space<vmem>>) dst(%dma_wait3A_175 : memref<8x1024xf32, #tpu.memory_space<hbm>>)
    return
  }
}

</mosaic_0001>

<sc_bundles>
// kernel: kernel.3.cloned.1.call-start
scs
__scs_entry_jumppad:
0x0: {  	(pc) =	sbr.rel $0x88, $3  }
0x1: {  	(tag) =	ssettag $0x0;
	lr =	simm.s32 $0x1  }
0x2: {  	[smem:$0x3F9F] =	sst lr;
	_ =	strace $0xD0000000  }
0x3: {  	_ = 	snop  }
0x4: {  	_ = 	snop  }
0x5: {  	_ = 	snop  }
0x6: {  	_ = 	snop  }
0x7: {  	_ = 	snop  }
__scs_overlays_trampoline_lowered:
0x8: {  	[smem:$0x3FAE] =	sst s0  }
0x9: {  	[smem:$0x3FAF] =	sst s1  }
0xa: {  	[smem:$0x3FB0] =	sst s2  }
0xb: {  	[smem:$0x3FB1] =	sst s3  }
0xc: {  	[smem:$0x3FB2] =	sst s4  }
0xd: {  	[smem:$0x3FB3] =	sst s5  }
0xe: {  	[smem:$0x3FB4] =	sst s6  }
0xf: {  	[smem:$0x3FB5] =	sst s7  }
0x10: {  	[smem:$0x3FB6] =	sst s8  }
0x11: {  	[smem:$0x3FB7] =	sst s9;
	s0 =	simm.s32 @!p0 $0x0  }
0x12: {  	s1 =	sld [smem:$0x3F9D];
	s0 =	simm.s32 @p0 $0x1  }
0x13: {  	[smem:$0x3FB8] =	sst s0;
	s0 =	simm.s32 @!p1 $0x0  }
0x14: {  	s2 =	sld [smem:$0x3F9C];
	s0 =	simm.s32 @p1 $0x1  }
0x15: {  	[smem:$0x3FB9] =	sst s0;
	s0 =	simm.s32 @!p2 $0x0  }
0x16: {  	s3 =	sld [smem:$0x3FDB];
	s0 =	simm.s32 @p2 $0x1  }
0x17: {  	s4 =	simm.s32 $0x1BF5;
	[smem:$0x3FBB] =	sst s0  }
0x18: {  	s0 =	sld [smem:$0x3F9E];
	_ =	swait.ge [sflag:s4], $0x0  }
0x19: {  	s7 =	sld [smem:$0x3F9F]  }
0x1a: {  	s8 =	sadd.s32 $0xFFFFE003, lr  }
0x1b: {  	s9 =	sadd.s32 $0xFFFFFEF7, lr;
	s5 =	simm.s32 $0xFFFFFFFF;
	p2 =	slt.u32 s8, $0xFFFFF086  }
0x1c: {  	p1 =	slt.u32 s9, $0xF7A;
	s5 =	simm.s32 @!p2 $0x0  }
0x1d: {  	s5 =	simm.s32 @p1 $0x1;
	p0 =	seq.s32 s7, s2  }
0x1e: {  	s7 =	smul.u32 @!p0 $0xF7A, s2;
	p2 =	seq.s32 @!p0 s5, $0x0  }
0x1f: {  	s9 =	smul.u32 $0xF7A, s1;
	s8 =	simm.s32 @!p0 $0x1BF5;
	p2 =	por !p2, p0  }
0x20: {  	[sflag:s8] =	ssyncset.s32 @!p0 $0xFFFFF086;
	s6 =	sadd.s32 @!p0 s3, s7;
	s7 =	simm.s32 @!p0 $0x108  }
0x21: {  	s3 =	sadd.s32 s3, s9;
	s6 =	sadd.s32 @!p0 $0x88, s6;
	s7 =	simm.s32 @p2 $0x1082  }
0x22: {  	[simem:s7], [sflag:s8] =	dma.local @!p0 [hbm:s6], $0xF7A  }
0x23: {  	s9 =	sor.u32 $0xD0000000, s2;
	s6 =	simm.s32 $0x108;
	_ =	swait.ge @!p0 [sflag:s8], $0x0  }
0x24: {  	s3 =	sadd.s32 $0x88, s3;
	s6 =	simm.s32 @!p1 $0x1082;
	[sflag:s4] =	ssyncset.s32 $0xFFFFF086  }
0x25: {  	[simem:s6], [sflag:s4] =	dma.local [hbm:s3], $0xF7A  }
0x26: {  	[smem:$0x3F9F] =	sst s1;
	(tag) =	ssettag s2;
	_ =	strace s9  }
0x27: {  	s1 =	sld [smem:$0x3FAF]  }
0x28: {  	s2 =	sld [smem:$0x3FB0]  }
0x29: {  	s4 =	sld [smem:$0x3FB2]  }
0x2a: {  	p0 =	seq.s32 s5, $0x0;
	s5 =	sld [smem:$0x3FB3]  }
0x2b: {  	s6 =	sld [smem:$0x3FB4]  }
0x2c: {  	s7 =	sld [smem:$0x3FB5]  }
0x2d: {  	s3 =	simm.s32 $0x108;
	s8 =	sld [smem:$0x3FB6]  }
0x2e: {  	s3 =	simm.s32 @!p0 $0x1082;
	s9 =	sld [smem:$0x3FB7]  }
0x2f: {  	lr =	sadd.s32 s0, s3;
	s0 =	sld [smem:$0x3FAE]  }
0x30: {  	s3 =	sld [smem:$0x3FB1]  }
0x31: {  	[smem:$0x3FBA] =	sst s10  }
0x32: {  	s10 =	sld [smem:$0x3FB8];
	_ =	sdelay $0x3  }
0x33: {  	p0 =	seq.s32 s10, $0x1;
	s10 =	sld [smem:$0x3FBA];
	_ =	sdelay $0x3  }
0x34: {  	[smem:$0x3FBA] =	sst s10  }
0x35: {  	s10 =	sld [smem:$0x3FB9];
	_ =	sdelay $0x3  }
0x36: {  	p1 =	seq.s32 s10, $0x1;
	s10 =	sld [smem:$0x3FBA];
	_ =	sdelay $0x3  }
0x37: {  	[smem:$0x3FBA] =	sst s10  }
0x38: {  	s10 =	sld [smem:$0x3FBB]  }
0x39: {  	_ = 	snop;
	(pc) =	sbr.ind lr, $3  }
0x3a: {  	_ = 	snop  }
0x3b: {  	_ = 	snop  }
0x3c: {  	p2 =	seq.s32 s10, $0x1;
	s10 =	sld [smem:$0x3FBA]  }
0x3d: {  	_ =	shalt  }
0x3e: {  	_ =	shalt  }
0x3f: {  	_ =	shalt  }
0x40: {  	_ =	shalt  }
0x41: {  	_ =	shalt  }
0x42: {  	_ =	shalt  }
0x43: {  	_ =	shalt  }
0x44: {  	_ =	shalt  }
0x45: {  	_ =	shalt  }
0x46: {  	_ =	shalt  }
0x47: {  	_ =	shalt  }
0x48: {  	_ =	shalt  }
0x49: {  	_ =	shalt  }
0x4a: {  	_ =	shalt  }
0x4b: {  	_ =	shalt  }
0x4c: {  	_ =	shalt  }
0x4d: {  	_ =	shalt  }
0x4e: {  	_ =	shalt  }
0x4f: {  	_ =	shalt  }
0x50: {  	_ =	shalt  }
0x51: {  	_ =	shalt  }
0x52: {  	_ =	shalt  }
0x53: {  	_ =	shalt  }
0x54: {  	_ =	shalt  }
0x55: {  	_ =	shalt  }
0x56: {  	_ =	shalt  }
0x57: {  	_ =	shalt  }
0x58: {  	_ =	shalt  }
0x59: {  	_ =	shalt  }
0x5a: {  	_ =	shalt  }
0x5b: {  	_ =	shalt  }
0x5c: {  	_ =	shalt  }
0x5d: {  	_ =	shalt  }
0x5e: {  	_ =	shalt  }
0x5f: {  	_ =	shalt  }
0x60: {  	_ =	shalt  }
0x61: {  	_ =	shalt  }
0x62: {  	_ =	shalt  }
0x63: {  	_ =	shalt  }
0x64: {  	_ =	shalt  }
0x65: {  	_ =	shalt  }
0x66: {  	_ =	shalt  }
0x67: {  	_ =	shalt  }
0x68: {  	_ =	shalt  }
0x69: {  	_ =	shalt  }
0x6a: {  	_ =	shalt  }
0x6b: {  	_ =	shalt  }
0x6c: {  	_ =	shalt  }
0x6d: {  	_ =	shalt  }
0x6e: {  	_ =	shalt  }
0x6f: {  	_ =	shalt  }
0x70: {  	_ =	shalt  }
0x71: {  	_ =	shalt  }
0x72: {  	_ =	shalt  }
0x73: {  	_ =	shalt  }
0x74: {  	_ =	shalt  }
0x75: {  	_ =	shalt  }
0x76: {  	_ =	shalt  }
0x77: {  	_ =	shalt  }
0x78: {  	_ =	shalt  }
0x79: {  	_ =	shalt  }
0x7a: {  	_ =	shalt  }
0x7b: {  	_ =	shalt  }
0x7c: {  	_ =	shalt  }
0x7d: {  	_ =	shalt  }
0x7e: {  	_ =	shalt  }
0x7f: {  	_ =	shalt  }
0x80: {  	_ =	shalt  }
0x81: {  	_ =	shalt  }
0x82: {  	_ =	shalt  }
0x83: {  	_ =	shalt  }
0x84: {  	_ =	shalt  }
0x85: {  	_ =	shalt  }
0x86: {  	_ =	shalt  }
0x87: {  	_ =	shalt  }
.Lfunc_end0:
.L_simem_size_0:
called_computation_lowered:
.L_overlay_start_0:
0x88: {  	s2 =	sld [smem:$0x3FD9]  }
0x89: {  	s3 =	sld [smem:$0x3FFE];
	_ =	sdelay $0x1  }
0x8a: {  	s1 =	srdreg.scid  }
0x8b: {  	s0 =	sand.u32 $0x1, s1  }
0x8c: {  	s18 =	sshll.u32 s0, $0xA;
	s2 =	sadd.s32 s3, s2  }
0x8d: {  	s2 =	sadd.s32 s2, s18  }
0x8e: {  	[smem:$0x3FC6] =	sst s2  }
0x8f: {  	_ = 	snop  }
0x90: {  	s2 =	sld [smem:$0x3FC9]  }
0x91: {  	s19 =	sld [smem:$0x3FC8]  }
0x92: {  	s4 =	sld [smem:$0x3FD0];
	(tm) =	ssettm $0x1  }
0x93: {  	s5 =	sld [smem:$0x3FFB];
	_ =	sdelay $0x3  }
0x94: {  	_ =	strace s5  }
0x95: {  	s5 =	sld [smem:$0x3FFC];
	_ =	sdelay $0x3  }
0x96: {  	_ =	strace s5  }
0x97: {  	s5 =	sld [smem:$0x3FFD];
	_ =	sdelay $0x3  }
0x98: {  	_ =	strace s5  }
0x99: {  	_ =	strace $0x8FFFFFFF  }
0x9a: {  	s20 =	sld [smem:$0x3FDB];
	_ =	sdelay $0x1  }
0x9b: {  	s6 =	simm.s32 $_scs_section_size  }
0x9c: {  	s7 =	simm.s32 $_size__tile_overlayer_lowered;
	s8 =	simm.s32 $_tile_overlayer_lowered  }
0x9d: {  	s23 =	simm.s32 $0x1BFF;
	s22 =	sshll.u32 s8, $0x1;
	s5 =	sadd.s32 s6, s20  }
0x9e: {  	s9 =	simm.s32 $0x0;
	s21 =	sshll.u32 s7, $0x1;
	s7 =	sadd.s32 s22, s5  }
0x9f: {  	[timem:s9], [sflag:s23] =	dma.local [hbm:s7], s21  }
0xa0: {  	_ =	swait.ge [sflag:s23], s21  }
0xa1: {  	s6 =	ssub.s32 $0x0, s21;
	[sflag:s23] =	ssyncset.done $0x0  }
0xa2: {  	[sflag:s23] =	ssyncadd.s32 s6;
	_ =	sdelay $0x1  }
0xa3: {  	s24 =	simm.s32 $0x1B8B  }
0xa4: {  	_ =	swait.ge [sflag:s24], $0x1  }
0xa5: {  	[sflag:s24] =	ssyncset.done $0x0  }
0xa6: {  	s25 =	simm.s32 $0x1B8E;
	[sflag:s24] =	ssyncadd.s32 $0xFFFFFFFF  }
0xa7: {  	s26 =	simm.s32 $execute0_lowered;
	[smem:$0x3FD2] =	sst s25  }
0xa8: {  	s6 =	sshll.u32 s26, $0x1;
	_ =	strace $0x80000046;
	[dreg:$0x1] =	wrdreg $0xFFFFFFFF  }
0xa9: {  	s28 =	simm.s32 $_size_execute0_lowered;
	s5 =	sadd.s32 s5, s6;
	[dreg:$0x0] =	wrdreg $0x0  }
0xaa: {  	s6 =	sshll.u32 s28, $0x1;
	[dreg:$0x2] =	wrdreg s5  }
0xab: {  	[dreg:$0x3] =	wrdreg s6  }
0xac: {  	[dreg:$0x4] =	wrdreg $0xC0  }
0xad: {  	_ =	task [dreg:s9], $0x5FFFF  }
0xae: {  	[dreg:$0x1] =	wrdreg $0xFFFFFFFF  }
0xaf: {  	[dreg:$0x0] =	wrdreg $0x60  }
0xb0: {  	[dreg:$0x2] =	wrdreg s2  }
0xb1: {  	[dreg:$0x3] =	wrdreg s19  }
0xb2: {  	[dreg:$0x4] =	wrdreg s4  }
0xb3: {  	[dreg:$0x5] =	wrdreg $0x9  }
0xb4: {  	_ =	task.clear_ibuf [dreg:s9], $0x6FFFF;
	_ =	strace $0x90000046  }
0xb5: {  	s29 =	simm.s32 $0x9;
	_ =	strace $0x80000048  }
0xb6: {  	_ =	swait.ge [sflag:s29], $0x1  }
0xb7: {  	[sflag:s29] =	ssyncadd.s32 $0xFFFFFFFF  }
0xb8: {  	_ =	strace $0x90000048  }
0xb9: {  	_ =	sfence  }
0xba: {  	s30 =	sld [smem:$0x0];
	_ =	sdelay $0x2  }
0xbb: {  	s31 =	sshll.u32 s1, $0xD;
	s1 =	sshrl.u32 s1, $0x2  }
0xbc: {  	s3 =	sand.u32 $0x4000, s31;
	s1 =	sadd.s32 s1, s30  }
0xbd: {  	s0 =	sor.u32 s3, s0;
	s1 =	sshll.u32 s1, $0x11  }
0xbe: {  	s0 =	sor.u32 s1, s0  }
0xbf: {  	s0 =	sadd.s32 $0x8F2B, s0  }
0xc0: {  	[sflag:s0] =	ssyncadd.remote.s32 $0x1  }
0xc1: {  	_ =	sfence.sel $0xFFFF  }
0xc2: {  	[dreg:$0x0] =	wrdreg $0xFFFFFFFF;
	(pc) =	sbr.abs _section_cstart, $3  }
0xc3: {  	[dreg:$0x1] =	wrdreg $0xFFFFFFFF  }
0xc4: {  	_ =	task.clear_ibuf [dreg:s9], $0x2FFFF;
	_ =	strace $0x9FFFFFFF  }
0xc5: {  	(tm) =	ssettm $0x7FFFFFFF  }
tec
execute0_lowered:
.L_overlay_start_1:
0x0: {  	(tag) =	ssettag $0x1  }
0x1: {  	s1 =	rddreg [dreg:$0x0]  }
0x2: {  	s3 =	rddreg [dreg:$0x1]  }
0x3: {  	s4 =	rddreg [dreg:$0x2];
	s0 =	srdreg.scid  }
0x4: {  	s6 =	stileid.u32;
	s5 =	simm.s32 $0x0;
	s29 =	simm.s32 $0x2  }
0x5: {  	s30 =	simm.s32 $0x12000;
	s31 =	simm.s32 $0x3;
	s0 =	sand.u32 $0x1, s0  }
0x6: {  	s19 =	simm.s32 $0x16000;
	s6 =	sshll.u32 s6, $0x8;
	s2 =	sshll.u32 s0, $0xC  }
0x7: {  	[smem:$0x7FF] =	sst s5;
	s0 =	ssub.s32 $0x2, s0;
	s2 =	sor.u32 s6, s2  }
0x8: {  	_ =	strace $0x80000047;
	s21 =	sshrl.u32 s0, $0x1;
	s7 =	sshll.u32 s2, $0x7  }
0x9: {  	s0 =	ssub.s32 s0, s21;
	s11 =	sshrl.u32 s2, $0x3;
	s2 =	simm.s32 $0x4  }
0xa: {  	s21 =	simm.s32 $0x6;
	s22 =	sadd.s32 s1, s7;
	s23 =	sor.u32 $0x400, s7  }
0xb: {  	s8 =	sadd.s32 s3, s7;
	s25 =	sor.u32 $0x800, s7;
	s13 =	sadd.s32 s4, s7  }
0xc: {  	s14 =	sor.u32 $0x4, s11;
	s15 =	sor.u32 $0x5, s11;
	[dreg:$0x4] =	wrdreg s22  }
0xd: {  	s16 =	sor.u32 $0x6, s11;
	s0 =	smax.u32 s0, $0x1;
	[dreg:$0x5] =	wrdreg s8  }
0xe: {  	s7 =	simm.s32 $0x0;
	s24 =	sadd.s32 s1, s23;
	[dreg:$0xa] =	wrdreg s0  }
0xf: {  	s9 =	sadd.s32 s3, s23;
	s26 =	sadd.s32 s1, s25;
	[dreg:$0x6] =	wrdreg s24  }
0x10: {  	s28 =	sadd.s32 s3, s25;
	s18 =	sadd.s32 s4, s23;
	[dreg:$0x7] =	wrdreg s9  }
0x11: {  	s0 =	simm.s32 $0x14000;
	s22 =	simm.s32 $0x7;
	[dreg:$0x8] =	wrdreg s26  }
0x12: {  	s23 =	simm.s32 $0x8;
	[dreg:$0x9] =	wrdreg s28;
	s24 =	simm.s32 $0x1  }
.LBB2_1:
0x13: {  	[dreg:$0xb] =	wrdreg s7  }
0x14: {  	s6 =	rddreg [dreg:$0x4]  }
0x15: {  	[tilespmem:s5], [sflag:$0x1] =	stream.linear.gather [hbm4b:s6+s5], $0x2000, $0x38;
	[tilespmem:$0x18000] =	vst v63  }
0x16: {  	s7 =	rddreg [dreg:$0x5];
	s8 =	simm.s32 $0x8000  }
0x17: {  	[tilespmem:s8], [sflag:$0x1] =	stream.linear.gather [hbm4b:s7+s5], $0x2000, $0x38;
	[tilespmem:$0x18000] =	vst v63  }
0x18: {  	s9 =	rddreg [dreg:$0x6];
	s10 =	simm.s32 $0x2000  }
0x19: {  	[tilespmem:s10], [sflag:$0x2] =	stream.linear.gather [hbm4b:s9+s5], $0x2000, $0x38;
	[tilespmem:$0x18000] =	vst v63  }
0x1a: {  	s12 =	rddreg [dreg:$0x7];
	s17 =	simm.s32 $0xA000  }
0x1b: {  	[tilespmem:s17], [sflag:$0x2] =	stream.linear.gather [hbm4b:s12+s5], $0x2000, $0x38;
	[tilespmem:$0x18000] =	vst v63  }
0x1c: {  	s20 =	rddreg [dreg:$0x8];
	s25 =	simm.s32 $0x4000  }
0x1d: {  	[tilespmem:s25], [sflag:$0x3] =	stream.linear.gather [hbm4b:s20+s5], $0x2000, $0x38;
	[tilespmem:$0x18000] =	vst v63  }
0x1e: {  	s26 =	rddreg [dreg:$0x9];
	s28 =	simm.s32 $0xC000;
	s7 =	simm.s32 $0x0  }
0x1f: {  	[tilespmem:s28], [sflag:$0x3] =	stream.linear.gather [hbm4b:s26+s5], $0x2000, $0x38;
	[tilespmem:$0x18000] =	vst v63  }
.LBB2_2:
0x20: {  	_ =	swait.ge [sflag:s24], $0x2000  }
0x21: {  	s9 =	sshll.u32 s7, $0x2;
	[sflag:s24] =	ssyncset.done $0x0  }
0x22: {  	s6 =	sadd.s32 s9, s11;
	[sflag:s24] =	ssyncadd.s32 $0xFFFFE000  }
0x23: {  	s10 =	simm.s32 $0x6000;
	s6 =	sshll.u32 s6, $0xA;
	_ =	swait.ge [sflag:s24], $0x2000  }
0x24: {  	s25 =	simm.s32 $0xE000;
	s8 =	sadd.s32 $0xC00, s6;
	[sflag:s24] =	ssyncset.done $0x0  }
0x25: {  	p0 =	seq.s32 s7, $0x0;
	s6 =	sadd.s32 s1, s8;
	[sflag:s24] =	ssyncadd.s32 $0xFFFFE000  }
0x26: {  	[tilespmem:s10], [sflag:$0x4] =	stream.linear.gather [hbm4b:s6+s5], $0x2000, $0x38;
	[tilespmem:$0x18000] =	vst v63  }
0x27: {  	s20 =	sadd.s32 s3, s8;
	s6 =	simm.s32 @!p0 $0x5;
	s10 =	simm.s32 $0x0  }
0x28: {  	[tilespmem:s25], [sflag:$0x4] =	stream.linear.gather [hbm4b:s20+s5], $0x2000, $0x38;
	[tilespmem:$0x18000] =	vst v63  }
0x29: {  	s12 =	sand.u32 $0x1C00, s10;
	_ =	swait.ge @!p0 [sflag:s6], $0x2000  }
0x2a: {  	s17 =	sor.u32 s12, s10;
	[sflag:s6] =	ssyncset.done @!p0 $0x0  }
0x2b: {  	s26 =	sor.u32 $0x70, s17;
	[sflag:s6] =	ssyncadd.s32 @!p0 $0xFFFFE000  }
0x2c: {  	s28 =	sand.u32 $0x380, s10;
	v0 =	vld [tilespmem:s26+$0x0]  }
0x2d: {  	s12 =	sor.u32 s28, s12;
	v1 =	vld [tilespmem:s26+$0x8000]  }
0x2e: {  	v2 =	vld [tilespmem:s12+$0x0]  }
0x2f: {  	v3 =	vld [tilespmem:s12+$0x8000]  }
0x30: {  	v5 =	vld [tilespmem:s12+$0x10]  }
0x31: {  	v6 =	vld [tilespmem:s12+$0x8010]  }
0x32: {  	v7 =	vld [tilespmem:s12+$0x20]  }
0x33: {  	v8 =	vld [tilespmem:s12+$0x8020]  }
0x34: {  	v4 =	vld [tilespmem:s12+$0x8030];
	v1 =	vadd.f32 v1, v0  }
0x35: {  	v0 =	vld [tilespmem:s12+$0x30];
	v2 =	vadd.f32 v3, v2  }
0x36: {  	v3 =	vadd.f32 v6, v5;
	[tilespmem:s26+$0x10000] =	vst v1;
	v1 =	vld [tilespmem:s12+$0x40]  }
0x37: {  	[tilespmem:s12+$0x10000] =	vst v2;
	v2 =	vld [tilespmem:s12+$0x8040]  }
0x38: {  	s20 =	simm.s32 $0x400;
	s17 =	simm.s32 $0x0;
	v5 =	vadd.f32 v8, v7;
	[tilespmem:s12+$0x10010] =	vst v3;
	v3 =	vld [tilespmem:s12+$0x50]  }
.LBB2_3:
0x39: {  	s6 =	sand.u32 $0x1C00, s20;
	v6 =	vld [tilespmem:s12+$0x8050];
	s10 =	sadd.s32 $0x10, s10  }
0x3a: {  	s17 =	sadd.s32 $0x8, s17;
	s25 =	sand.u32 $0x380, s10;
	s26 =	sor.u32 s6, s10;
	[tilespmem:s12+$0x10020] =	vst v5;
	v0 =	vadd.f32 v4, v0;
	v4 =	vld [tilespmem:s12+$0x60]  }
0x3b: {  	p0 =	slt.u32 s17, $0x1F8;
	s6 =	sor.u32 s25, s6;
	s25 =	sor.u32 $0x70, s26;
	v5 =	vld [tilespmem:s12+$0x8060]  }
0x3c: {  	v7 =	vld [tilespmem:s25+$0x0];
	[tilespmem:s12+$0x10030] =	vst v0;
	v0 =	vadd.f32 v2, v1  }
0x3d: {  	v1 =	vld [tilespmem:s25+$0x8000]  }
0x3e: {  	v2 =	vld [tilespmem:s6+$0x0];
	[tilespmem:s12+$0x10040] =	vst v0;
	v0 =	vadd.f32 v6, v3  }
0x3f: {  	v3 =	vld [tilespmem:s6+$0x8000]  }
0x40: {  	v6 =	vld [tilespmem:s6+$0x10];
	[tilespmem:s12+$0x10050] =	vst v0;
	v0 =	vadd.f32 v5, v4  }
0x41: {  	v5 =	vld [tilespmem:s6+$0x8010]  }
0x42: {  	v8 =	vld [tilespmem:s6+$0x20];
	v1 =	vadd.f32 v1, v7;
	[tilespmem:s12+$0x10060] =	vst v0;
	s12 =	smov.u32 s6  }
0x43: {  	v7 =	vld [tilespmem:s12+$0x8020]  }
.Ltmp0:
0x44: {  	v2 =	vadd.f32 v3, v2;
	v0 =	vld [tilespmem:s12+$0x30];
	[tilespmem:s25+$0x10000] =	vst v1;
	(pc) =	sbr.rel @p0 .LBB2_3-.Ltmp0, $4  }
0x45: {  	v4 =	vld [tilespmem:s12+$0x8030]  }
0x46: {  	[tilespmem:s12+$0x10000] =	vst v2;
	v3 =	vadd.f32 v5, v6;
	v1 =	vld [tilespmem:s12+$0x40]  }
0x47: {  	v2 =	vld [tilespmem:s12+$0x8040]  }
0x48: {  	s20 =	sadd.s32 $0x400, s20;
	[tilespmem:s12+$0x10010] =	vst v3;
	v5 =	vadd.f32 v7, v8;
	v3 =	vld [tilespmem:s12+$0x50]  }
0x49: {  	v6 =	vld [tilespmem:s12+$0x8050]  }
0x4a: {  	v7 =	vld [tilespmem:s12+$0x60]  }
0x4b: {  	v8 =	vld [tilespmem:s12+$0x8060];
	_ =	sdelay $0x1  }
0x4c: {  	v0 =	vadd.f32 v4, v0  }
0x4d: {  	[tilespmem:s12+$0x10020] =	vst v5;
	v1 =	vadd.f32 v2, v1  }
0x4e: {  	[tilespmem:s12+$0x10030] =	vst v0;
	v0 =	vadd.f32 v6, v3  }
0x4f: {  	[tilespmem:s12+$0x10040] =	vst v1;
	v1 =	vadd.f32 v8, v7  }
0x50: {  	s10 =	sshll.u32 s7, $0xC;
	[tilespmem:s12+$0x10050] =	vst v0  }
0x51: {  	s20 =	simm.s32 $0x10000;
	s6 =	sadd.s32 s10, s13;
	[tilespmem:s12+$0x10060] =	vst v1  }
0x52: {  	[hbm4b:s6+s5] =	stream.linear.scatter [tilespmem:s20], [sflag:$0x5], $0x2000, $0x38;
	[tilespmem:$0x18000] =	vst v63  }
0x53: {  	_ =	swait.ge [sflag:s29], $0x2000  }
0x54: {  	p0 =	seq.s32 s7, $0x7;
	[sflag:s29] =	ssyncset.done $0x0  }
0x55: {  	s6 =	sadd.s32 @!p0 s14, s9;
	[sflag:s29] =	ssyncadd.s32 $0xFFFFE000  }
0x56: {  	s6 =	sshll.u32 @!p0 s6, $0xA;
	_ =	swait.ge [sflag:s29], $0x2000  }
0x57: {  	s6 =	sand.u32 @!p0 $0x1FFFF000, s6;
	[sflag:s29] =	ssyncset.done $0x0  }
0x58: {  	s17 =	simm.s32 @!p0 $0x0;
	s12 =	sadd.s32 @!p0 s1, s6;
	[sflag:s29] =	ssyncadd.s32 $0xFFFFE000  }
0x59: {  	[tilespmem:s17], [sflag:$0x1] =	stream.linear.gather @!p0 [hbm4b:s12+s17], $0x2000, $0x38;
	[tilespmem:$0x18000] =	vst v63  }
0x5a: {  	p1 =	seq.s32 @!p0 s7, $0x0;
	s6 =	sadd.s32 @!p0 s3, s6;
	s12 =	simm.s32 @!p0 $0x8000  }
0x5b: {  	[tilespmem:s12], [sflag:$0x1] =	stream.linear.gather @!p0 [hbm4b:s6+s17], $0x2000, $0x38;
	[tilespmem:$0x18000] =	vst v63  }
0x5c: {  	p1 =	por p0, !p1;
	s17 =	simm.s32 $0x0  }
0x5d: {  	_ =	swait.ge @p1 [sflag:s21], $0x2000;
	s25 =	sand.u32 $0x1C00, s17  }
0x5e: {  	[sflag:s21] =	ssyncset.done @p1 $0x0;
	s26 =	sor.u32 s25, s17  }
0x5f: {  	[sflag:s21] =	ssyncadd.s32 @p1 $0xFFFFE000;
	s20 =	sor.u32 $0x2070, s26  }
0x60: {  	s28 =	sand.u32 $0x380, s17;
	v0 =	vld [tilespmem:s20+$0x0]  }
0x61: {  	s12 =	sor.u32 s28, s25;
	v1 =	vld [tilespmem:s20+$0x8000]  }
0x62: {  	v2 =	vld [tilespmem:s12+$0x2000]  }
0x63: {  	v3 =	vld [tilespmem:s12+$0xA000]  }
0x64: {  	v5 =	vld [tilespmem:s12+$0x2010]  }
0x65: {  	v6 =	vld [tilespmem:s12+$0xA010]  }
0x66: {  	v7 =	vld [tilespmem:s12+$0x2020]  }
0x67: {  	v63 =	vld [tilespmem:s12+$0xA020]  }
0x68: {  	v4 =	vld [tilespmem:s12+$0xA030];
	v1 =	vadd.f32 v1, v0  }
0x69: {  	v0 =	vld [tilespmem:s12+$0x2030];
	v2 =	vadd.f32 v3, v2  }
0x6a: {  	v3 =	vadd.f32 v6, v5;
	[tilespmem:s20+$0x10000] =	vst v1;
	v1 =	vld [tilespmem:s12+$0x2040]  }
0x6b: {  	[tilespmem:s12+$0x12000] =	vst v2;
	v2 =	vld [tilespmem:s12+$0xA040]  }
0x6c: {  	s6 =	simm.s32 $0x400;
	v5 =	vadd.f32 v63, v7;
	s20 =	simm.s32 $0x0;
	[tilespmem:s12+$0x12010] =	vst v3;
	v3 =	vld [tilespmem:s12+$0x2050]  }
.LBB2_5:
0x6d: {  	s25 =	sand.u32 $0x1C00, s6;
	v6 =	vld [tilespmem:s12+$0xA050];
	s17 =	sadd.s32 $0x10, s17  }
0x6e: {  	s20 =	sadd.s32 $0x8, s20;
	s26 =	sand.u32 $0x380, s17;
	s28 =	sor.u32 s25, s17;
	[tilespmem:s12+$0x12020] =	vst v5;
	v0 =	vadd.f32 v4, v0;
	v4 =	vld [tilespmem:s12+$0x2060]  }
0x6f: {  	p2 =	slt.u32 s20, $0x1F8;
	s25 =	sor.u32 s26, s25;
	s26 =	sor.u32 $0x2070, s28;
	v5 =	vld [tilespmem:s12+$0xA060]  }
0x70: {  	v7 =	vld [tilespmem:s26+$0x0];
	[tilespmem:s12+$0x12030] =	vst v0;
	v0 =	vadd.f32 v2, v1  }
0x71: {  	v1 =	vld [tilespmem:s26+$0x8000]  }
0x72: {  	v2 =	vld [tilespmem:s25+$0x2000];
	[tilespmem:s12+$0x12040] =	vst v0;
	v0 =	vadd.f32 v6, v3  }
0x73: {  	v3 =	vld [tilespmem:s25+$0xA000]  }
0x74: {  	v6 =	vld [tilespmem:s25+$0x2010];
	[tilespmem:s12+$0x12050] =	vst v0;
	v0 =	vadd.f32 v5, v4  }
0x75: {  	v5 =	vld [tilespmem:s25+$0xA010]  }
0x76: {  	v8 =	vld [tilespmem:s25+$0x2020];
	v1 =	vadd.f32 v1, v7;
	[tilespmem:s12+$0x12060] =	vst v0;
	s12 =	smov.u32 s25  }
0x77: {  	v7 =	vld [tilespmem:s12+$0xA020]  }
.Ltmp1:
0x78: {  	v2 =	vadd.f32 v3, v2;
	v0 =	vld [tilespmem:s12+$0x2030];
	[tilespmem:s26+$0x10000] =	vst v1;
	(pc) =	sbr.rel @p2 .LBB2_5-.Ltmp1, $4  }
0x79: {  	v4 =	vld [tilespmem:s12+$0xA030]  }
0x7a: {  	[tilespmem:s12+$0x12000] =	vst v2;
	v3 =	vadd.f32 v5, v6;
	v1 =	vld [tilespmem:s12+$0x2040]  }
0x7b: {  	v2 =	vld [tilespmem:s12+$0xA040]  }
0x7c: {  	s6 =	sadd.s32 $0x400, s6;
	[tilespmem:s12+$0x12010] =	vst v3;
	v5 =	vadd.f32 v7, v8;
	v3 =	vld [tilespmem:s12+$0x2050]  }
0x7d: {  	v6 =	vld [tilespmem:s12+$0xA050]  }
0x7e: {  	v7 =	vld [tilespmem:s12+$0x2060]  }
0x7f: {  	v8 =	vld [tilespmem:s12+$0xA060];
	_ =	sdelay $0x1  }
0x80: {  	v0 =	vadd.f32 v4, v0  }
0x81: {  	[tilespmem:s12+$0x12020] =	vst v5;
	v1 =	vadd.f32 v2, v1  }
0x82: {  	[tilespmem:s12+$0x12030] =	vst v0;
	v0 =	vadd.f32 v6, v3  }
0x83: {  	[tilespmem:s12+$0x12040] =	vst v1;
	v1 =	vadd.f32 v8, v7  }
0x84: {  	[tilespmem:s12+$0x12050] =	vst v0  }
0x85: {  	s6 =	sadd.s32 s18, s10;
	[tilespmem:s12+$0x12060] =	vst v1  }
0x86: {  	[hbm4b:s6+s5] =	stream.linear.scatter [tilespmem:s30], [sflag:$0x6], $0x2000, $0x38;
	[tilespmem:$0x18000] =	vst v63  }
0x87: {  	_ =	swait.ge [sflag:s31], $0x2000  }
0x88: {  	[sflag:s31] =	ssyncset.done $0x0  }
0x89: {  	[sflag:s31] =	ssyncadd.s32 $0xFFFFE000  }
0x8a: {  	s6 =	sadd.s32 @!p0 s15, s9;
	_ =	swait.ge [sflag:s31], $0x2000  }
0x8b: {  	s17 =	simm.s32 @!p0 $0x2000;
	s6 =	sshll.u32 @!p0 s6, $0xA;
	[sflag:s31] =	ssyncset.done $0x0  }
0x8c: {  	s12 =	simm.s32 @!p0 $0x0;
	s10 =	sadd.s32 @!p0 s1, s6;
	[sflag:s31] =	ssyncadd.s32 $0xFFFFE000  }
0x8d: {  	[tilespmem:s17], [sflag:$0x2] =	stream.linear.gather @!p0 [hbm4b:s10+s12], $0x2000, $0x38;
	[tilespmem:$0x18000] =	vst v63  }
0x8e: {  	s6 =	sadd.s32 @!p0 s3, s6;
	s10 =	simm.s32 @!p0 $0xA000  }
0x8f: {  	[tilespmem:s10], [sflag:$0x2] =	stream.linear.gather @!p0 [hbm4b:s6+s12], $0x2000, $0x38;
	[tilespmem:$0x18000] =	vst v63  }
0x90: {  	s12 =	simm.s32 $0x0  }
0x91: {  	_ =	swait.ge @p1 [sflag:s22], $0x2000;
	s20 =	sand.u32 $0x1C00, s12  }
0x92: {  	[sflag:s22] =	ssyncset.done @p1 $0x0;
	s25 =	sor.u32 s20, s12  }
0x93: {  	[sflag:s22] =	ssyncadd.s32 @p1 $0xFFFFE000;
	s26 =	sor.u32 $0x4070, s25  }
0x94: {  	s28 =	sand.u32 $0x380, s12;
	v0 =	vld [tilespmem:s26+$0x0]  }
0x95: {  	s10 =	sor.u32 s28, s20;
	v1 =	vld [tilespmem:s26+$0x8000]  }
0x96: {  	v2 =	vld [tilespmem:s10+$0x4000]  }
0x97: {  	v3 =	vld [tilespmem:s10+$0xC000]  }
0x98: {  	v4 =	vld [tilespmem:s10+$0x4010]  }
0x99: {  	v5 =	vld [tilespmem:s10+$0xC010]  }
0x9a: {  	v6 =	vld [tilespmem:s10+$0x4020]  }
0x9b: {  	v7 =	vld [tilespmem:s10+$0xC020]  }
0x9c: {  	v1 =	vadd.f32 v1, v0;
	v0 =	vld [tilespmem:s10+$0x4030]  }
0x9d: {  	v2 =	vadd.f32 v3, v2;
	v3 =	vld [tilespmem:s10+$0xC030]  }
0x9e: {  	v4 =	vadd.f32 v5, v4;
	[tilespmem:s26+$0x10000] =	vst v1;
	v1 =	vld [tilespmem:s10+$0x4040]  }
0x9f: {  	[tilespmem:s10+$0x14000] =	vst v2;
	v2 =	vld [tilespmem:s10+$0xC040]  }
0xa0: {  	s17 =	sor.u32 $0x2, s9;
	s6 =	simm.s32 $0x400;
	s20 =	simm.s32 $0x0;
	v5 =	vadd.f32 v7, v6;
	[tilespmem:s10+$0x14010] =	vst v4;
	v4 =	vld [tilespmem:s10+$0x4050]  }
.LBB2_7:
0xa1: {  	s25 =	sand.u32 $0x1C00, s6;
	v6 =	vld [tilespmem:s10+$0xC050];
	s12 =	sadd.s32 $0x10, s12  }
0xa2: {  	s20 =	sadd.s32 $0x8, s20;
	s26 =	sand.u32 $0x380, s12;
	s28 =	sor.u32 s25, s12;
	[tilespmem:s10+$0x14020] =	vst v5;
	v0 =	vadd.f32 v3, v0;
	v3 =	vld [tilespmem:s10+$0x4060]  }
0xa3: {  	p2 =	slt.u32 s20, $0x1F8;
	s25 =	sor.u32 s26, s25;
	s26 =	sor.u32 $0x4070, s28;
	v5 =	vld [tilespmem:s10+$0xC060]  }
0xa4: {  	v7 =	vld [tilespmem:s26+$0x0];
	[tilespmem:s10+$0x14030] =	vst v0;
	v0 =	vadd.f32 v2, v1  }
0xa5: {  	v1 =	vld [tilespmem:s26+$0x8000]  }
0xa6: {  	v2 =	vld [tilespmem:s25+$0x4000];
	[tilespmem:s10+$0x14040] =	vst v0;
	v0 =	vadd.f32 v6, v4  }
0xa7: {  	v4 =	vld [tilespmem:s25+$0xC000]  }
0xa8: {  	v6 =	vld [tilespmem:s25+$0x4010];
	[tilespmem:s10+$0x14050] =	vst v0;
	v0 =	vadd.f32 v5, v3  }
0xa9: {  	v5 =	vld [tilespmem:s25+$0xC010]  }
0xaa: {  	v8 =	vld [tilespmem:s25+$0x4020];
	v1 =	vadd.f32 v1, v7;
	[tilespmem:s10+$0x14060] =	vst v0;
	s10 =	smov.u32 s25  }
0xab: {  	v7 =	vld [tilespmem:s10+$0xC020]  }
.Ltmp2:
0xac: {  	v2 =	vadd.f32 v4, v2;
	v0 =	vld [tilespmem:s10+$0x4030];
	[tilespmem:s26+$0x10000] =	vst v1;
	(pc) =	sbr.rel @p2 .LBB2_7-.Ltmp2, $4  }
0xad: {  	v3 =	vld [tilespmem:s10+$0xC030]  }
0xae: {  	[tilespmem:s10+$0x14000] =	vst v2;
	v4 =	vadd.f32 v5, v6;
	v1 =	vld [tilespmem:s10+$0x4040]  }
0xaf: {  	v2 =	vld [tilespmem:s10+$0xC040]  }
0xb0: {  	s6 =	sadd.s32 $0x400, s6;
	[tilespmem:s10+$0x14010] =	vst v4;
	v5 =	vadd.f32 v7, v8;
	v4 =	vld [tilespmem:s10+$0x4050]  }
0xb1: {  	v6 =	vld [tilespmem:s10+$0xC050]  }
0xb2: {  	v7 =	vld [tilespmem:s10+$0x4060]  }
0xb3: {  	v8 =	vld [tilespmem:s10+$0xC060];
	_ =	sdelay $0x1  }
0xb4: {  	v0 =	vadd.f32 v3, v0  }
0xb5: {  	[tilespmem:s10+$0x14020] =	vst v5;
	v1 =	vadd.f32 v2, v1  }
0xb6: {  	s6 =	sadd.s32 s11, s17;
	[tilespmem:s10+$0x14030] =	vst v0;
	v0 =	vadd.f32 v6, v4  }
0xb7: {  	s6 =	sshll.u32 s6, $0xA;
	[tilespmem:s10+$0x14040] =	vst v1;
	v1 =	vadd.f32 v8, v7  }
0xb8: {  	s6 =	sand.u32 $0x1FFFF800, s6;
	[tilespmem:s10+$0x14050] =	vst v0  }
0xb9: {  	s6 =	sadd.s32 s4, s6;
	[tilespmem:s10+$0x14060] =	vst v1  }
0xba: {  	[hbm4b:s6+s5] =	stream.linear.scatter [tilespmem:s0], [sflag:$0x7], $0x2000, $0x38;
	[tilespmem:$0x18000] =	vst v63  }
0xbb: {  	_ =	swait.ge [sflag:s2], $0x2000  }
0xbc: {  	[sflag:s2] =	ssyncset.done $0x0  }
0xbd: {  	s6 =	sadd.s32 @!p0 s16, s9;
	[sflag:s2] =	ssyncadd.s32 $0xFFFFE000  }
0xbe: {  	s6 =	sshll.u32 @!p0 s6, $0xA;
	_ =	swait.ge [sflag:s2], $0x2000  }
0xbf: {  	s12 =	simm.s32 @!p0 $0x4000;
	s6 =	sand.u32 @!p0 $0x1FFFF800, s6;
	[sflag:s2] =	ssyncset.done $0x0  }
0xc0: {  	s10 =	simm.s32 @!p0 $0x0;
	s9 =	sadd.s32 @!p0 s1, s6;
	[sflag:s2] =	ssyncadd.s32 $0xFFFFE000  }
0xc1: {  	[tilespmem:s12], [sflag:$0x3] =	stream.linear.gather @!p0 [hbm4b:s9+s10], $0x2000, $0x38;
	[tilespmem:$0x18000] =	vst v63  }
0xc2: {  	s6 =	sadd.s32 @!p0 s3, s6;
	s9 =	simm.s32 @!p0 $0xC000  }
0xc3: {  	[tilespmem:s9], [sflag:$0x3] =	stream.linear.gather @!p0 [hbm4b:s6+s10], $0x2000, $0x38;
	[tilespmem:$0x18000] =	vst v63  }
0xc4: {  	s10 =	simm.s32 $0x0  }
0xc5: {  	_ =	swait.ge @p1 [sflag:s23], $0x2000;
	s20 =	sand.u32 $0x1C00, s10  }
0xc6: {  	[sflag:s23] =	ssyncset.done @p1 $0x0;
	s25 =	sor.u32 s20, s10  }
0xc7: {  	[sflag:s23] =	ssyncadd.s32 @p1 $0xFFFFE000;
	s26 =	sor.u32 $0x6070, s25  }
0xc8: {  	s28 =	sand.u32 $0x380, s10;
	v0 =	vld [tilespmem:s26+$0x0]  }
0xc9: {  	s9 =	sor.u32 s28, s20;
	v1 =	vld [tilespmem:s26+$0x8000]  }
0xca: {  	v2 =	vld [tilespmem:s9+$0x6000]  }
0xcb: {  	v3 =	vld [tilespmem:s9+$0xE000]  }
0xcc: {  	v5 =	vld [tilespmem:s9+$0x6010]  }
0xcd: {  	v6 =	vld [tilespmem:s9+$0xE010]  }
0xce: {  	v7 =	vld [tilespmem:s9+$0x6020]  }
0xcf: {  	v63 =	vld [tilespmem:s9+$0xE020]  }
0xd0: {  	v4 =	vld [tilespmem:s9+$0xE030];
	v1 =	vadd.f32 v1, v0  }
0xd1: {  	v0 =	vld [tilespmem:s9+$0x6030];
	v2 =	vadd.f32 v3, v2  }
0xd2: {  	v3 =	vadd.f32 v6, v5;
	[tilespmem:s26+$0x10000] =	vst v1;
	v1 =	vld [tilespmem:s9+$0x6040]  }
0xd3: {  	[tilespmem:s9+$0x16000] =	vst v2;
	v2 =	vld [tilespmem:s9+$0xE040]  }
0xd4: {  	s12 =	simm.s32 $0x0;
	s6 =	simm.s32 $0x400;
	v5 =	vadd.f32 v63, v7;
	[tilespmem:s9+$0x16010] =	vst v3;
	v3 =	vld [tilespmem:s9+$0x6050]  }
.LBB2_9:
0xd5: {  	s17 =	sand.u32 $0x1C00, s6;
	v6 =	vld [tilespmem:s9+$0xE050];
	s10 =	sadd.s32 $0x10, s10  }
0xd6: {  	s12 =	sadd.s32 $0x8, s12;
	s20 =	sand.u32 $0x380, s10;
	s25 =	sor.u32 s17, s10;
	[tilespmem:s9+$0x16020] =	vst v5;
	v0 =	vadd.f32 v4, v0;
	v4 =	vld [tilespmem:s9+$0x6060]  }
0xd7: {  	p0 =	slt.u32 s12, $0x1F8;
	s17 =	sor.u32 s20, s17;
	s20 =	sor.u32 $0x6070, s25;
	v5 =	vld [tilespmem:s9+$0xE060]  }
0xd8: {  	v7 =	vld [tilespmem:s20+$0x0];
	[tilespmem:s9+$0x16030] =	vst v0;
	v0 =	vadd.f32 v2, v1  }
0xd9: {  	v1 =	vld [tilespmem:s20+$0x8000]  }
0xda: {  	v2 =	vld [tilespmem:s17+$0x6000];
	[tilespmem:s9+$0x16040] =	vst v0;
	v0 =	vadd.f32 v6, v3  }
0xdb: {  	v3 =	vld [tilespmem:s17+$0xE000]  }
0xdc: {  	v6 =	vld [tilespmem:s17+$0x6010];
	[tilespmem:s9+$0x16050] =	vst v0;
	v0 =	vadd.f32 v5, v4  }
0xdd: {  	v5 =	vld [tilespmem:s17+$0xE010]  }
0xde: {  	v8 =	vld [tilespmem:s17+$0x6020];
	v1 =	vadd.f32 v1, v7;
	[tilespmem:s9+$0x16060] =	vst v0;
	s9 =	smov.u32 s17  }
0xdf: {  	v7 =	vld [tilespmem:s9+$0xE020]  }
.Ltmp3:
0xe0: {  	v2 =	vadd.f32 v3, v2;
	v0 =	vld [tilespmem:s9+$0x6030];
	[tilespmem:s20+$0x10000] =	vst v1;
	(pc) =	sbr.rel @p0 .LBB2_9-.Ltmp3, $4  }
0xe1: {  	v4 =	vld [tilespmem:s9+$0xE030]  }
0xe2: {  	[tilespmem:s9+$0x16000] =	vst v2;
	v3 =	vadd.f32 v5, v6;
	v1 =	vld [tilespmem:s9+$0x6040]  }
0xe3: {  	v2 =	vld [tilespmem:s9+$0xE040]  }
0xe4: {  	s6 =	sadd.s32 $0x400, s6;
	[tilespmem:s9+$0x16010] =	vst v3;
	v5 =	vadd.f32 v7, v8;
	v3 =	vld [tilespmem:s9+$0x6050]  }
0xe5: {  	v6 =	vld [tilespmem:s9+$0xE050]  }
0xe6: {  	v7 =	vld [tilespmem:s9+$0x6060]  }
0xe7: {  	v8 =	vld [tilespmem:s9+$0xE060];
	_ =	sdelay $0x1  }
0xe8: {  	s7 =	sadd.s32 $0x1, s7;
	v0 =	vadd.f32 v4, v0  }
0xe9: {  	[tilespmem:s9+$0x16020] =	vst v5;
	p0 =	sne.s32 s7, $0x8;
	v1 =	vadd.f32 v2, v1  }
.Ltmp4:
0xea: {  	[tilespmem:s9+$0x16030] =	vst v0;
	v62 =	vadd.f32 v6, v3;
	(pc) =	sbr.rel @p0 .LBB2_2-.Ltmp4, $4  }
0xeb: {  	[tilespmem:s9+$0x16040] =	vst v1;
	v63 =	vadd.f32 v8, v7  }
0xec: {  	[tilespmem:s9+$0x16050] =	vst v62  }
0xed: {  	s6 =	sadd.s32 s4, s8;
	[tilespmem:s9+$0x16060] =	vst v63  }
0xee: {  	[hbm4b:s6+s5] =	stream.linear.scatter [tilespmem:s19], [sflag:$0x8], $0x2000, $0x38;
	[tilespmem:$0x18000] =	vst v63  }
0xef: {  	s6 =	simm.s32 $0x5  }
0xf0: {  	_ =	swait.ge [sflag:s6], $0x2000  }
0xf1: {  	[sflag:s6] =	ssyncset.done $0x0  }
0xf2: {  	[sflag:s6] =	ssyncadd.s32 $0xFFFFE000  }
0xf3: {  	_ =	swait.ge [sflag:s21], $0x2000  }
0xf4: {  	[sflag:s21] =	ssyncset.done $0x0  }
0xf5: {  	[sflag:s21] =	ssyncadd.s32 $0xFFFFE000  }
0xf6: {  	_ =	swait.ge [sflag:s22], $0x2000  }
0xf7: {  	[sflag:s22] =	ssyncset.done $0x0  }
0xf8: {  	[sflag:s22] =	ssyncadd.s32 $0xFFFFE000  }
0xf9: {  	_ =	swait.ge [sflag:s23], $0x2000  }
0xfa: {  	s7 =	rddreg [dreg:$0xb]  }
0xfb: {  	s28 =	rddreg [dreg:$0xa];
	s7 =	sadd.s32 $0x1, s7  }
0xfc: {  	p0 =	sne.s32 s7, s28  }
.Ltmp5:
0xfd: {  	_ = 	snop;
	(pc) =	sbr.rel @p0 .LBB2_1-.Ltmp5, $3  }
0xfe: {  	_ =	sdelay $0x1  }
0xff: {  	[sflag:s23] =	ssyncset.done $0x0  }
0x100: {  	[sflag:s23] =	ssyncadd.s32 $0xFFFFE000  }
0x101: {  	_ =	sfence.sel $0x180000  }
0x102: {  	[bflag:$0x0] =	sbarrier.arrive $0xFFFF  }
0x103: {  	_ =	strace $0x90000047  }
0x104: {  	s0 =	stileid.u32;
	[bflag:$0x2] =	sbarrier.arrive $0xFFFF  }
0x105: {  	p0 =	sne.s32 s0, $0x0;
	s0 =	rddreg [dreg:$0x3]  }
0x106: {  	s0 =	sadd.s32 @!p0 $0x100000, s0  }
0x107: {  	[sflag:s0] =	ssyncadd.tile.s32 @!p0 $0x1;
	_ =	shalt  }
.Lfunc_end2:
_tile_overlayer_lowered:
.L_overlay_start_2:
0x108: {  	(tag) =	ssettag $0x2  }
0x109: {  	s0 =	rddreg [dreg:$0x0];
	s2 =	stileid.u32  }
0x10a: {  	s1 =	rddreg [dreg:$0x1];
	p0 =	sne.s32 s2, $0x0  }
0x10b: {  	s3 =	rddreg [dreg:$0x2];
	[bflag:$0x3] =	sbarrier.arrive $0xFFFF;
	s2 =	simm.s32 @!p0 $0x1C09  }
0x10c: {  	[timem:s3], [sflag:s2] =	dma.local @!p0 [hbm:s0], s1  }
0x10d: {  	s0 =	simm.s32 @!p0 $0x9  }
0x10e: {  	_ =	swait.ge @!p0 [sflag:s0], s1  }
0x10f: {  	s1 =	ssub.s32 @!p0 $0x0, s1;
	[sflag:s0] =	ssyncset.done @!p0 $0x0  }
0x110: {  	[sflag:s0] =	ssyncadd.s32 @!p0 s1  }
0x111: {  	[bflag:$0x3] =	sbarrier.arrive $0xFFFF  }
0x112: {  	_ =	shalt  }

</sc_bundles>
